<compile_context>
chip_gen: v7x
topology: tpu7x:2x2x1
jax: 0.10.2.dev20260603
libtpu: 0.0.44.dev20260713+nightly
codegen_flags: <defaults>
</compile_context>

<pallas_src>
import functools

import jax
import jax.numpy as jnp
from jax import lax
from jax.experimental import pallas as pl
from jax.experimental.pallas import tpu as pltpu
from jax.experimental.pallas import tpu_sc as plsc

N = 10000
E = 320000
D = 128
H = 8
DH = 16
HID = 128

NODE_BLK = 2048
EDGE_BLK = 2560

NC = 2
NS = 16
NW = NC * NS
E_PER_W = E // NW
SC_CHUNK = 80
N_CHUNKS = E_PER_W // SC_CHUNK


def _sc_mesh():
    return plsc.VectorSubcoreMesh(core_axis_name="c", subcore_axis_name="s",
                                  num_cores=NC, num_subcores=NS)


def _gather_prod_body(kh_hbm, qh_hbm, vh_hbm, src_hbm, dst_hbm, p_hbm, vsrc_hbm,
                      idx_s, idx_d, krows, qrows, vrows, pbuf, sem0, sem1, sem2):
    cid = lax.axis_index("c")
    sid = lax.axis_index("s")
    w = sid * NC + cid

    def chunk(k, _):
        base = w * E_PER_W + k * SC_CHUNK
        pltpu.sync_copy(src_hbm.at[pl.ds(base, SC_CHUNK)], idx_s)
        pltpu.sync_copy(dst_hbm.at[pl.ds(base, SC_CHUNK)], idx_d)
        ck = pltpu.async_copy(kh_hbm.at[idx_s], krows, sem0)
        cq = pltpu.async_copy(qh_hbm.at[idx_d], qrows, sem1)
        cv = pltpu.async_copy(vh_hbm.at[idx_s], vrows, sem2)
        ck.wait()
        cq.wait()

        def edge(i, _):
            for h in range(H):
                sl = pl.ds(h * DH, DH)
                pbuf[i, sl] = krows[i, sl] * qrows[i, sl]
            return 0

        lax.fori_loop(0, SC_CHUNK, edge, 0)
        pltpu.sync_copy(pbuf, p_hbm.at[pl.ds(base, SC_CHUNK)])
        cv.wait()
        pltpu.sync_copy(vrows, vsrc_hbm.at[pl.ds(base, SC_CHUNK)])
        return 0

    lax.fori_loop(0, N_CHUNKS, chunk, 0)


def _gather_prod(Kh, Qh, Vh, src, dst):
    f = pl.kernel(
        _gather_prod_body,
        out_type=[jax.ShapeDtypeStruct((E, HID), jnp.float32),
                  jax.ShapeDtypeStruct((E, HID), jnp.float32)],
        mesh=_sc_mesh(),
        scratch_types=[
            pltpu.VMEM((SC_CHUNK,), jnp.int32),
            pltpu.VMEM((SC_CHUNK,), jnp.int32),
            pltpu.VMEM((SC_CHUNK, HID), jnp.float32),
            pltpu.VMEM((SC_CHUNK, HID), jnp.float32),
            pltpu.VMEM((SC_CHUNK, HID), jnp.float32),
            pltpu.VMEM((SC_CHUNK, HID), jnp.float32),
            pltpu.SemaphoreType.DMA,
            pltpu.SemaphoreType.DMA,
            pltpu.SemaphoreType.DMA,
        ],
    )
    return f(Kh, Qh, Vh, src, dst)


def _ln_rows(x, w, b):
    m = x.mean(-1, keepdims=True)
    v = x.var(-1, keepdims=True)
    return (x - m) / jnp.sqrt(v + 1e-5) * w + b


def _qkv_body(x_ref, wq_ref, wk_ref, wv_ref, q_ref, k_ref, v_ref):
    x = x_ref[...]
    q_ref[...] = jnp.dot(x, wq_ref[...], preferred_element_type=jnp.float32)
    k_ref[...] = jnp.dot(x, wk_ref[...], preferred_element_type=jnp.float32)
    v_ref[...] = jnp.dot(x, wv_ref[...], preferred_element_type=jnp.float32)


def _qkv_proj(node_feats, W_Q, W_K, W_V):
    grid = (pl.cdiv(N, NODE_BLK),)
    blk = pl.BlockSpec((NODE_BLK, D), lambda i: (i, 0))
    wspec = pl.BlockSpec((D, HID), lambda i: (0, 0))
    out = pl.pallas_call(
        _qkv_body,
        grid=grid,
        in_specs=[blk, wspec, wspec, wspec],
        out_specs=[blk, blk, blk],
        out_shape=[jax.ShapeDtypeStruct((N, HID), jnp.float32)] * 3,
    )(node_feats, W_Q, W_K, W_V)
    return out


NP = 10240
NPS = NP // NS
E_PER_CORE = E // NC
E_PC_S = E_PER_CORE // NS
N_CHUNKS_SC = E_PC_S // SC_CHUNK


def _scatter_body(wv_hbm, s_hbm, dst_hbm, zwv_hbm, zz_hbm, awv_hbm, az_hbm,
                  idx_d, wvbuf, sbuf, tbl_wv, tbl_z):
    cid = lax.axis_index("c")
    sid = lax.axis_index("s")
    rows = pl.ds(sid * NPS, NPS)
    pltpu.sync_copy(zwv_hbm.at[rows], tbl_wv.at[rows])
    pltpu.sync_copy(zz_hbm.at[rows], tbl_z.at[rows])
    plsc.subcore_barrier()

    def chunk(k, _):
        base = cid * E_PER_CORE + sid * E_PC_S + k * SC_CHUNK
        pltpu.sync_copy(dst_hbm.at[pl.ds(base, SC_CHUNK)], idx_d)
        pltpu.sync_copy(wv_hbm.at[pl.ds(base, SC_CHUNK)], wvbuf)
        pltpu.sync_copy(s_hbm.at[pl.ds(base, SC_CHUNK)], sbuf)
        pltpu.sync_copy(wvbuf, tbl_wv.at[idx_d], add=True)
        pltpu.sync_copy(sbuf, tbl_z.at[idx_d], add=True)
        return 0

    lax.fori_loop(0, N_CHUNKS_SC, chunk, 0)
    plsc.subcore_barrier()
    pltpu.sync_copy(tbl_wv.at[rows], awv_hbm.at[cid, rows])
    pltpu.sync_copy(tbl_z.at[rows], az_hbm.at[cid, rows])


def _scatter_segsum(wv, s16, dst):
    zwv = jnp.zeros((NP, HID), jnp.float32)
    zz = jnp.zeros((NP, DH), jnp.float32)
    f = pl.kernel(
        _scatter_body,
        out_type=[jax.ShapeDtypeStruct((NC, NP, HID), jnp.float32),
                  jax.ShapeDtypeStruct((NC, NP, DH), jnp.float32)],
        mesh=_sc_mesh(),
        compiler_params=pltpu.CompilerParams(use_tc_tiling_on_sc=False),
        scratch_types=[
            pltpu.VMEM((SC_CHUNK,), jnp.int32),
            pltpu.VMEM((SC_CHUNK, HID), jnp.float32),
            pltpu.VMEM((SC_CHUNK, DH), jnp.float32),
            pltpu.VMEM_SHARED((NP, HID), jnp.float32),
            pltpu.VMEM_SHARED((NP, DH), jnp.float32),
        ],
    )
    return f(wv, s16, dst, zwv, zz)


def _edge_score_body(ef_in_ref, p_ref, vsrc_ref, wpe_ref, seg_ref,
                     score_out_ref, s_out_ref, wv_out_ref):
    x = ef_in_ref[...]
    pe = jnp.dot(x, wpe_ref[...], preferred_element_type=jnp.float32)
    score = p_ref[...] * pe * 0.25
    score_out_ref[...] = score
    ssum = jnp.dot(score, seg_ref[...], preferred_element_type=jnp.float32)
    s = jnp.exp(jnp.clip(ssum, -5.0, 5.0))
    s_out_ref[...] = s
    s128 = jnp.concatenate([s] * (HID // DH), axis=1)
    wv_out_ref[...] = vsrc_ref[...] * s128


def _edge_score(edge_feats, P, Vsrc, W_pe):
    grid = (E // EDGE_BLK,)
    blk = pl.BlockSpec((EDGE_BLK, D), lambda i: (i, 0))
    c = lambda *shape: pl.BlockSpec(shape, lambda i: (0,) * len(shape))
    seg = (jnp.arange(D)[:, None] // DH == jnp.arange(DH)[None, :] % H).astype(jnp.float32)
    score, s, wv = pl.pallas_call(
        _edge_score_body,
        grid=grid,
        in_specs=[blk, blk, blk, c(D, HID), c(D, DH)],
        out_specs=[blk, pl.BlockSpec((EDGE_BLK, DH), lambda i: (i, 0)), blk],
        out_shape=[jax.ShapeDtypeStruct((E, HID), jnp.float32),
                   jax.ShapeDtypeStruct((E, DH), jnp.float32),
                   jax.ShapeDtypeStruct((E, HID), jnp.float32)],
    )(edge_feats, P, Vsrc, W_pe, seg)
    return score, s, wv


def _edge_ffn_body(ef_in_ref, score_ref, woe_ref, boe_ref, ln1w_ref, ln1b_ref,
                   wf1_ref, bf1_ref, wf2_ref, bf2_ref, ln2w_ref, ln2b_ref,
                   ef_out_ref):
    x = ef_in_ref[...]
    score = score_ref[...]
    y = jnp.dot(score, woe_ref[...], preferred_element_type=jnp.float32) + boe_ref[...]
    y = _ln_rows(x + y, ln1w_ref[...], ln1b_ref[...])
    y2 = jnp.maximum(jnp.dot(y, wf1_ref[...], preferred_element_type=jnp.float32)
                     + bf1_ref[...], 0.0)
    y2 = jnp.dot(y2, wf2_ref[...], preferred_element_type=jnp.float32) + bf2_ref[...]
    ef_out_ref[...] = _ln_rows(y + y2, ln2w_ref[...], ln2b_ref[...])


def _edge_ffn(edge_feats, score, W_Oe, b_Oe, ln1e_w, ln1e_b,
              W_ffe1, b_ffe1, W_ffe2, b_ffe2, ln2e_w, ln2e_b):
    grid = (E // EDGE_BLK,)
    blk = pl.BlockSpec((EDGE_BLK, D), lambda i: (i, 0))
    c = lambda *shape: pl.BlockSpec(shape, lambda i: (0,) * len(shape))
    ef = pl.pallas_call(
        _edge_ffn_body,
        grid=grid,
        in_specs=[blk, blk, c(HID, HID), c(HID,), c(HID,), c(HID,),
                  c(HID, 2 * HID), c(2 * HID,), c(2 * HID, HID), c(HID,),
                  c(HID,), c(HID,)],
        out_specs=blk,
        out_shape=jax.ShapeDtypeStruct((E, HID), jnp.float32),
    )(edge_feats, score, W_Oe, b_Oe, ln1e_w, ln1e_b,
      W_ffe1, b_ffe1, W_ffe2, b_ffe2, ln2e_w, ln2e_b)
    return ef


def _node_body(nf_in_ref, awv_ref, az_ref, woh_ref, boh_ref,
               ln1w_ref, ln1b_ref, wf1_ref, bf1_ref, wf2_ref, bf2_ref,
               ln2w_ref, ln2b_ref, nf_out_ref):
    x = nf_in_ref[...]
    wv = awv_ref[0] + awv_ref[1]
    z16 = az_ref[0] + az_ref[1]
    z = jnp.concatenate([z16] * (HID // DH), axis=1)
    h = wv / (z + 1e-6)
    y = jnp.dot(h, woh_ref[...], preferred_element_type=jnp.float32) + boh_ref[...]
    y = _ln_rows(x + y, ln1w_ref[...], ln1b_ref[...])
    y2 = jnp.maximum(jnp.dot(y, wf1_ref[...], preferred_element_type=jnp.float32)
                     + bf1_ref[...], 0.0)
    y2 = jnp.dot(y2, wf2_ref[...], preferred_element_type=jnp.float32) + bf2_ref[...]
    nf_out_ref[...] = _ln_rows(y + y2, ln2w_ref[...], ln2b_ref[...])


def _node_pipeline(node_feats, awv, az, W_Oh, b_Oh, ln1h_w, ln1h_b,
                   W_ffh1, b_ffh1, W_ffh2, b_ffh2, ln2h_w, ln2h_b):
    grid = (NP // NODE_BLK,)
    blk = pl.BlockSpec((NODE_BLK, D), lambda i: (i, 0))
    c = lambda *shape: pl.BlockSpec(shape, lambda i: (0,) * len(shape))
    nf = pl.pallas_call(
        _node_body,
        grid=grid,
        in_specs=[blk, pl.BlockSpec((NC, NODE_BLK, HID), lambda i: (0, i, 0)),
                  pl.BlockSpec((NC, NODE_BLK, DH), lambda i: (0, i, 0)),
                  c(HID, HID), c(HID,), c(HID,), c(HID,),
                  c(HID, 2 * HID), c(2 * HID,), c(2 * HID, HID), c(HID,),
                  c(HID,), c(HID,)],
        out_specs=blk,
        out_shape=jax.ShapeDtypeStruct((N, HID), jnp.float32),
    )(node_feats, awv, az, W_Oh, b_Oh, ln1h_w, ln1h_b,
      W_ffh1, b_ffh1, W_ffh2, b_ffh2, ln2h_w, ln2h_b)
    return nf


def kernel(node_feats, edge_feats, edge_index, W_Q, W_K, W_V, W_pe, W_Oh, b_Oh,
           W_Oe, b_Oe, ln1h_w, ln1h_b, ln1e_w, ln1e_b, W_ffh1, b_ffh1, W_ffh2,
           b_ffh2, W_ffe1, b_ffe1, W_ffe2, b_ffe2, ln2h_w, ln2h_b, ln2e_w,
           ln2e_b):
    src = edge_index[0]
    dst = edge_index[1]
    W_Vt = W_V.reshape(D, H, DH).transpose(0, 2, 1).reshape(D, HID)
    W_Oht = W_Oh.reshape(H, DH, HID).transpose(1, 0, 2).reshape(HID, HID)
    Qh, Kh, Vh = _qkv_proj(node_feats, W_Q, W_K, W_Vt)

    P, Vsrc = _gather_prod(Kh, Qh, Vh, src, dst)

    score, s, wv = _edge_score(edge_feats, P, Vsrc, W_pe)

    awv, az = _scatter_segsum(wv, s, dst)

    ef = _edge_ffn(edge_feats, score, W_Oe, b_Oe, ln1e_w, ln1e_b,
                   W_ffe1, b_ffe1, W_ffe2, b_ffe2, ln2e_w, ln2e_b)

    nf = _node_pipeline(node_feats, awv, az, W_Oht, b_Oh, ln1h_w, ln1h_b,
                        W_ffh1, b_ffh1, W_ffh2, b_ffh2, ln2h_w, ln2h_b)
    return (nf, ef)

# --- scband reference (transcript-rebuilt; emitter-appended) ---
"""Pipeline reference for scband-salayer-9723805958285 (READ-ONLY COPY).

The authoritative reference and input builder live on the scoring server;
editing this copy changes nothing except your own understanding.
"""

import jax, jax.numpy as jnp
import numpy as np

N = 10000
E = 320000
D = 128
H = 8
DH = 16
HID = 128

def _ln(x, w, b):
    m = x.mean(-1, keepdims=True)
    v = x.var(-1, keepdims=True)
    return (x - m) / jnp.sqrt(v + 1e-5) * w + b

def setup_inputs(seed: int = 0):
    key = jax.random.key(seed)
    ks = jax.random.split(key, 24)
    s = 0.02
    inp = {}
    inp['node_feats'] = jax.random.normal(ks[0], (N, D), jnp.float32)
    inp['edge_feats'] = jax.random.normal(ks[1], (E, D), jnp.float32)
    inp['edge_index'] = jax.random.randint(ks[2], (2, E), 0, N, jnp.int32)
    inp['W_Q'] = jax.random.normal(ks[3], (D, HID), jnp.float32) * s
    inp['W_K'] = jax.random.normal(ks[4], (D, HID), jnp.float32) * s
    inp['W_V'] = jax.random.normal(ks[5], (D, HID), jnp.float32) * s
    inp['W_pe'] = jax.random.normal(ks[6], (D, HID), jnp.float32) * s
    inp['W_Oh'] = jax.random.normal(ks[7], (HID, HID), jnp.float32) * s
    inp['b_Oh'] = jnp.zeros((HID,), jnp.float32)
    inp['W_Oe'] = jax.random.normal(ks[8], (HID, HID), jnp.float32) * s
    inp['b_Oe'] = jnp.zeros((HID,), jnp.float32)
    inp['ln1h_w'] = jnp.ones((HID,), jnp.float32)
    inp['ln1h_b'] = jnp.zeros((HID,), jnp.float32)
    inp['ln1e_w'] = jnp.ones((HID,), jnp.float32)
    inp['ln1e_b'] = jnp.zeros((HID,), jnp.float32)
    inp['W_ffh1'] = jax.random.normal(ks[9], (HID, 2 * HID), jnp.float32) * s
    inp['b_ffh1'] = jnp.zeros((2 * HID,), jnp.float32)
    inp['W_ffh2'] = jax.random.normal(ks[10], (2 * HID, HID), jnp.float32) * s
    inp['b_ffh2'] = jnp.zeros((HID,), jnp.float32)
    inp['W_ffe1'] = jax.random.normal(ks[11], (HID, 2 * HID), jnp.float32) * s
    inp['b_ffe1'] = jnp.zeros((2 * HID,), jnp.float32)
    inp['W_ffe2'] = jax.random.normal(ks[12], (2 * HID, HID), jnp.float32) * s
    inp['b_ffe2'] = jnp.zeros((HID,), jnp.float32)
    inp['ln2h_w'] = jnp.ones((HID,), jnp.float32)
    inp['ln2h_b'] = jnp.zeros((HID,), jnp.float32)
    inp['ln2e_w'] = jnp.ones((HID,), jnp.float32)
    inp['ln2e_b'] = jnp.zeros((HID,), jnp.float32)
    return inp

def reference(node_feats, edge_feats, edge_index, W_Q, W_K, W_V, W_pe, W_Oh, b_Oh, W_Oe, b_Oe, ln1h_w, ln1h_b, ln1e_w, ln1e_b, W_ffh1, b_ffh1, W_ffh2, b_ffh2, W_ffe1, b_ffe1, W_ffe2, b_ffe2, ln2h_w, ln2h_b, ln2e_w, ln2e_b):
    src = edge_index[0]
    dst = edge_index[1]
    Qh = (node_feats @ W_Q).reshape(-1, H, DH)
    Kh = (node_feats @ W_K).reshape(-1, H, DH)
    Vh = (node_feats @ W_V).reshape(-1, H, DH)
    pe = (edge_feats @ W_pe).reshape(-1, H, DH)
    # per-edge implicit attention: K[src] * Q[dst], scaled, modulated by edge proj
    score = Kh[src] * Qh[dst]
    score = score / np.sqrt(DH)
    score = score * pe
    e_out = score
    s = jnp.exp(jnp.clip(score.sum(-1, keepdims=True), -5.0, 5.0))
    wV = jax.ops.segment_sum(Vh[src] * s, dst, num_segments=N)
    z = jax.ops.segment_sum(s, dst, num_segments=N)
    h_out = wV / (z + 1e-6)
    nf = h_out.reshape(-1, HID)
    ef = e_out.reshape(-1, HID)
    nf = nf @ W_Oh + b_Oh
    ef = ef @ W_Oe + b_Oe
    nf = node_feats + nf
    ef = edge_feats + ef
    nf = _ln(nf, ln1h_w, ln1h_b)
    ef = _ln(ef, ln1e_w, ln1e_b)
    nf2 = jax.nn.relu(nf @ W_ffh1 + b_ffh1) @ W_ffh2 + b_ffh2
    ef2 = jax.nn.relu(ef @ W_ffe1 + b_ffe1) @ W_ffe2 + b_ffe2
    nf = _ln(nf + nf2, ln2h_w, ln2h_b)
    ef = _ln(ef + ef2, ln2e_w, ln2e_b)
    return (nf, ef)

if __name__ == "__main__":
    import jax
    _d = setup_inputs()
    print(jax.jit(kernel)(*tuple(_d.values())))

</pallas_src>

<mosaic_0001>
#map = affine_map<(d0, d1) -> (0, 0)>
#map1 = affine_map<(d0, d1) -> (0)>
#map2 = affine_map<(d0, d1) -> (0, 0, 0)>
module attributes {stable_mosaic.version = 14 : i64} {
  func.func @_scatter_body(%arg0: i32, %arg1: i32, %arg2: memref<320000x128xf32, #tpu.memory_space<hbm>>, %arg3: memref<320000x16xf32, #tpu.memory_space<hbm>>, %arg4: memref<320000xi32, #tpu.memory_space<hbm>>, %arg5: memref<10240x128xf32, #tpu.memory_space<hbm>>, %arg6: memref<10240x16xf32, #tpu.memory_space<hbm>>, %arg7: memref<2x10240x128xf32, #tpu.memory_space<hbm>>, %arg8: memref<2x10240x16xf32, #tpu.memory_space<hbm>>, %arg9: memref<80xi32, #tpu.memory_space<vmem>>, %arg10: memref<80x128xf32, #tpu.memory_space<vmem>>, %arg11: memref<80x16xf32, #tpu.memory_space<vmem>>, %arg12: memref<10240x128xf32, #tpu.memory_space<vmem_shared>>, %arg13: memref<10240x16xf32, #tpu.memory_space<vmem_shared>>) attributes {dimension_semantics = [#tpu.dimension_semantics<core_parallel>, #tpu.dimension_semantics<subcore_parallel>], iteration_bounds = array<i64: 2, 16>, scalar_prefetch = 0 : i64, scratch_operands = 5 : i64, tpu.core_type = #tpu.core_type<sc_vector_subcore>, window_params = [{transform_indices = #map}, {transform_indices = #map}, {transform_indices = #map1}, {transform_indices = #map}, {transform_indices = #map}, {transform_indices = #map2}, {transform_indices = #map2}]} {
    %mul3A = arith.constant 640 : i32
    %mul3A_0 = arith.muli %arg1, %mul3A : i32
    "tpu.region"() ({
      %run_scoped3A = tpu.sem_alloc : memref<!tpu.dma_semaphore, #tpu.memory_space<semaphore_mem>>
      %dma_start3A = arith.constant 0 : i32
      %dma_start3A_8 = tpu.memref_slice %arg12[%mul3A_0, %dma_start3A] : memref<10240x128xf32, #tpu.memory_space<vmem_shared>> -> memref<640x128xf32, #tpu.memory_space<vmem_shared>>
      %dma_start3A_9 = arith.constant 0 : i32
      %dma_start3A_10 = tpu.memref_slice %arg5[%mul3A_0, %dma_start3A_9] : memref<10240x128xf32, #tpu.memory_space<hbm>> -> memref<640x128xf32, #tpu.memory_space<hbm>>
      tpu.enqueue_dma source(%dma_start3A_10 : memref<640x128xf32, #tpu.memory_space<hbm>>) target(%dma_start3A_8 : memref<640x128xf32, #tpu.memory_space<vmem_shared>>) target_semaphore(%run_scoped3A : memref<!tpu.dma_semaphore, #tpu.memory_space<semaphore_mem>>)
      %dma_wait3A = arith.constant 0 : i32
      %dma_wait3A_11 = tpu.memref_slice %arg12[%mul3A_0, %dma_wait3A] : memref<10240x128xf32, #tpu.memory_space<vmem_shared>> -> memref<640x128xf32, #tpu.memory_space<vmem_shared>>
      %dma_wait3A_12 = arith.constant 0 : i32
      %dma_wait3A_13 = tpu.memref_slice %arg5[%mul3A_0, %dma_wait3A_12] : memref<10240x128xf32, #tpu.memory_space<hbm>> -> memref<640x128xf32, #tpu.memory_space<hbm>>
      tpu.wait_dma2 semaphore(%run_scoped3A : memref<!tpu.dma_semaphore, #tpu.memory_space<semaphore_mem>>) src(%dma_wait3A_13 : memref<640x128xf32, #tpu.memory_space<hbm>>) dst(%dma_wait3A_11 : memref<640x128xf32, #tpu.memory_space<vmem_shared>>)
      tpu.yield
    }) : () -> ()
    "tpu.region"() ({
      %run_scoped3A = tpu.sem_alloc : memref<!tpu.dma_semaphore, #tpu.memory_space<semaphore_mem>>
      %dma_start3A = arith.constant 0 : i32
      %dma_start3A_8 = tpu.memref_slice %arg13[%mul3A_0, %dma_start3A] : memref<10240x16xf32, #tpu.memory_space<vmem_shared>> -> memref<640x16xf32, #tpu.memory_space<vmem_shared>>
      %dma_start3A_9 = arith.constant 0 : i32
      %dma_start3A_10 = tpu.memref_slice %arg6[%mul3A_0, %dma_start3A_9] : memref<10240x16xf32, #tpu.memory_space<hbm>> -> memref<640x16xf32, #tpu.memory_space<hbm>>
      tpu.enqueue_dma source(%dma_start3A_10 : memref<640x16xf32, #tpu.memory_space<hbm>>) target(%dma_start3A_8 : memref<640x16xf32, #tpu.memory_space<vmem_shared>>) target_semaphore(%run_scoped3A : memref<!tpu.dma_semaphore, #tpu.memory_space<semaphore_mem>>)
      %dma_wait3A = arith.constant 0 : i32
      %dma_wait3A_11 = tpu.memref_slice %arg13[%mul3A_0, %dma_wait3A] : memref<10240x16xf32, #tpu.memory_space<vmem_shared>> -> memref<640x16xf32, #tpu.memory_space<vmem_shared>>
      %dma_wait3A_12 = arith.constant 0 : i32
      %dma_wait3A_13 = tpu.memref_slice %arg6[%mul3A_0, %dma_wait3A_12] : memref<10240x16xf32, #tpu.memory_space<hbm>> -> memref<640x16xf32, #tpu.memory_space<hbm>>
      tpu.wait_dma2 semaphore(%run_scoped3A : memref<!tpu.dma_semaphore, #tpu.memory_space<semaphore_mem>>) src(%dma_wait3A_13 : memref<640x16xf32, #tpu.memory_space<hbm>>) dst(%dma_wait3A_11 : memref<640x16xf32, #tpu.memory_space<vmem_shared>>)
      tpu.yield
    }) : () -> ()
    %barrier3A = arith.constant 0 : index
    tpu.barrier barrier_id(%barrier3A)
    %scan3A = arith.constant 0 : i32
    %scan3A_1 = arith.constant 0 : i32
    %scan3A_2 = arith.constant 125 : i32
    %scan3A_3 = arith.addi %scan3A_1, %scan3A_2 : i32
    %scan3A_4 = arith.constant 1 : i32
    %scan3A_5 = scf.for %scan3A_8 = %scan3A_1 to %scan3A_3 step %scan3A_4 iter_args(%scan3A_9 = %scan3A) -> (i32)  : i32 {
      %mul3A_10 = arith.constant 160000 : i32
      %mul3A_11 = arith.muli %arg0, %mul3A_10 : i32
      %mul3A_12 = arith.constant 10000 : i32
      %mul3A_13 = arith.muli %arg1, %mul3A_12 : i32
      %add3A = arith.addi %mul3A_11, %mul3A_13 : i32
      %mul3A_14 = arith.constant 80 : i32
      %mul3A_15 = arith.muli %scan3A_8, %mul3A_14 : i32
      %add3A_16 = arith.addi %add3A, %mul3A_15 : i32
      "tpu.region"() ({
        %run_scoped3A = tpu.sem_alloc : memref<!tpu.dma_semaphore, #tpu.memory_space<semaphore_mem>>
        %dma_start3A = tpu.memref_slice %arg4[%add3A_16] : memref<320000xi32, #tpu.memory_space<hbm>> -> memref<80xi32, #tpu.memory_space<hbm>>
        %dma_start3A_18 = tpu.memref_slice %arg4[%add3A_16] : memref<320000xi32, #tpu.memory_space<hbm>> -> memref<80xi32, #tpu.memory_space<hbm>>
        tpu.enqueue_dma source(%dma_start3A_18 : memref<80xi32, #tpu.memory_space<hbm>>) target(%arg9 : memref<80xi32, #tpu.memory_space<vmem>>) target_semaphore(%run_scoped3A : memref<!tpu.dma_semaphore, #tpu.memory_space<semaphore_mem>>)
        %dma_wait3A = tpu.memref_slice %arg4[%add3A_16] : memref<320000xi32, #tpu.memory_space<hbm>> -> memref<80xi32, #tpu.memory_space<hbm>>
        %dma_wait3A_19 = tpu.memref_slice %arg4[%add3A_16] : memref<320000xi32, #tpu.memory_space<hbm>> -> memref<80xi32, #tpu.memory_space<hbm>>
        tpu.wait_dma2 semaphore(%run_scoped3A : memref<!tpu.dma_semaphore, #tpu.memory_space<semaphore_mem>>) src(%dma_wait3A_19 : memref<80xi32, #tpu.memory_space<hbm>>) dst(%arg9 : memref<80xi32, #tpu.memory_space<vmem>>)
        tpu.yield
      }) : () -> ()
      "tpu.region"() ({
        %run_scoped3A = tpu.sem_alloc : memref<!tpu.dma_semaphore, #tpu.memory_space<semaphore_mem>>
        %dma_start3A = arith.constant 0 : i32
        %dma_start3A_18 = tpu.memref_slice %arg2[%add3A_16, %dma_start3A] : memref<320000x128xf32, #tpu.memory_space<hbm>> -> memref<80x128xf32, #tpu.memory_space<hbm>>
        %dma_start3A_19 = arith.constant 0 : i32
        %dma_start3A_20 = tpu.memref_slice %arg2[%add3A_16, %dma_start3A_19] : memref<320000x128xf32, #tpu.memory_space<hbm>> -> memref<80x128xf32, #tpu.memory_space<hbm>>
        tpu.enqueue_dma source(%dma_start3A_20 : memref<80x128xf32, #tpu.memory_space<hbm>>) target(%arg10 : memref<80x128xf32, #tpu.memory_space<vmem>>) target_semaphore(%run_scoped3A : memref<!tpu.dma_semaphore, #tpu.memory_space<semaphore_mem>>)
        %dma_wait3A = arith.constant 0 : i32
        %dma_wait3A_21 = tpu.memref_slice %arg2[%add3A_16, %dma_wait3A] : memref<320000x128xf32, #tpu.memory_space<hbm>> -> memref<80x128xf32, #tpu.memory_space<hbm>>
        %dma_wait3A_22 = arith.constant 0 : i32
        %dma_wait3A_23 = tpu.memref_slice %arg2[%add3A_16, %dma_wait3A_22] : memref<320000x128xf32, #tpu.memory_space<hbm>> -> memref<80x128xf32, #tpu.memory_space<hbm>>
        tpu.wait_dma2 semaphore(%run_scoped3A : memref<!tpu.dma_semaphore, #tpu.memory_space<semaphore_mem>>) src(%dma_wait3A_23 : memref<80x128xf32, #tpu.memory_space<hbm>>) dst(%arg10 : memref<80x128xf32, #tpu.memory_space<vmem>>)
        tpu.yield
      }) : () -> ()
      "tpu.region"() ({
        %run_scoped3A = tpu.sem_alloc : memref<!tpu.dma_semaphore, #tpu.memory_space<semaphore_mem>>
        %dma_start3A = arith.constant 0 : i32
        %dma_start3A_18 = tpu.memref_slice %arg3[%add3A_16, %dma_start3A] : memref<320000x16xf32, #tpu.memory_space<hbm>> -> memref<80x16xf32, #tpu.memory_space<hbm>>
        %dma_start3A_19 = arith.constant 0 : i32
        %dma_start3A_20 = tpu.memref_slice %arg3[%add3A_16, %dma_start3A_19] : memref<320000x16xf32, #tpu.memory_space<hbm>> -> memref<80x16xf32, #tpu.memory_space<hbm>>
        tpu.enqueue_dma source(%dma_start3A_20 : memref<80x16xf32, #tpu.memory_space<hbm>>) target(%arg11 : memref<80x16xf32, #tpu.memory_space<vmem>>) target_semaphore(%run_scoped3A : memref<!tpu.dma_semaphore, #tpu.memory_space<semaphore_mem>>)
        %dma_wait3A = arith.constant 0 : i32
        %dma_wait3A_21 = tpu.memref_slice %arg3[%add3A_16, %dma_wait3A] : memref<320000x16xf32, #tpu.memory_space<hbm>> -> memref<80x16xf32, #tpu.memory_space<hbm>>
        %dma_wait3A_22 = arith.constant 0 : i32
        %dma_wait3A_23 = tpu.memref_slice %arg3[%add3A_16, %dma_wait3A_22] : memref<320000x16xf32, #tpu.memory_space<hbm>> -> memref<80x16xf32, #tpu.memory_space<hbm>>
        tpu.wait_dma2 semaphore(%run_scoped3A : memref<!tpu.dma_semaphore, #tpu.memory_space<semaphore_mem>>) src(%dma_wait3A_23 : memref<80x16xf32, #tpu.memory_space<hbm>>) dst(%arg11 : memref<80x16xf32, #tpu.memory_space<vmem>>)
        tpu.yield
      }) : () -> ()
      "tpu.region"() ({
        %run_scoped3A = tpu.sem_alloc : memref<!tpu.dma_semaphore, #tpu.memory_space<semaphore_mem>>
        %dma_start3A = arith.constant 0 : i32
        %dma_start3A_18 = arith.constant 0 : i32
        %dma_start3A_19 = tpu.memref_slice %arg12[%dma_start3A, %dma_start3A_18] : memref<10240x128xf32, #tpu.memory_space<vmem_shared>> -> memref<10240x128xf32, #tpu.memory_space<vmem_shared>>
        tpu.enqueue_indirect_dma source(%arg10 : memref<80x128xf32, #tpu.memory_space<vmem>>) target(%dma_start3A_19 : memref<10240x128xf32, #tpu.memory_space<vmem_shared>>) offsets(%arg9 : memref<80xi32, #tpu.memory_space<vmem>>) semaphore(%run_scoped3A : memref<!tpu.dma_semaphore, #tpu.memory_space<semaphore_mem>>) {add = true}
        %dma_wait3A = arith.constant 0 : i32
        %dma_wait3A_20 = arith.constant 0 : i32
        %dma_wait3A_21 = tpu.memref_slice %arg12[%dma_wait3A, %dma_wait3A_20] : memref<10240x128xf32, #tpu.memory_space<vmem_shared>> -> memref<10240x128xf32, #tpu.memory_space<vmem_shared>>
        tpu.wait_indirect_dma semaphore(%run_scoped3A : memref<!tpu.dma_semaphore, #tpu.memory_space<semaphore_mem>>) src(%arg10 : memref<80x128xf32, #tpu.memory_space<vmem>>) dst(%dma_wait3A_21 : memref<10240x128xf32, #tpu.memory_space<vmem_shared>>)
        tpu.yield
      }) : () -> ()
      "tpu.region"() ({
        %run_scoped3A = tpu.sem_alloc : memref<!tpu.dma_semaphore, #tpu.memory_space<semaphore_mem>>
        %dma_start3A = arith.constant 0 : i32
        %dma_start3A_18 = arith.constant 0 : i32
        %dma_start3A_19 = tpu.memref_slice %arg13[%dma_start3A, %dma_start3A_18] : memref<10240x16xf32, #tpu.memory_space<vmem_shared>> -> memref<10240x16xf32, #tpu.memory_space<vmem_shared>>
        tpu.enqueue_indirect_dma source(%arg11 : memref<80x16xf32, #tpu.memory_space<vmem>>) target(%dma_start3A_19 : memref<10240x16xf32, #tpu.memory_space<vmem_shared>>) offsets(%arg9 : memref<80xi32, #tpu.memory_space<vmem>>) semaphore(%run_scoped3A : memref<!tpu.dma_semaphore, #tpu.memory_space<semaphore_mem>>) {add = true}
        %dma_wait3A = arith.constant 0 : i32
        %dma_wait3A_20 = arith.constant 0 : i32
        %dma_wait3A_21 = tpu.memref_slice %arg13[%dma_wait3A, %dma_wait3A_20] : memref<10240x16xf32, #tpu.memory_space<vmem_shared>> -> memref<10240x16xf32, #tpu.memory_space<vmem_shared>>
        tpu.wait_indirect_dma semaphore(%run_scoped3A : memref<!tpu.dma_semaphore, #tpu.memory_space<semaphore_mem>>) src(%arg11 : memref<80x16xf32, #tpu.memory_space<vmem>>) dst(%dma_wait3A_21 : memref<10240x16xf32, #tpu.memory_space<vmem_shared>>)
        tpu.yield
      }) : () -> ()
      %scan3A_17 = arith.constant 0 : i32
      scf.yield %scan3A_17 : i32
    }
    %scan3A_6 = arith.constant 125 : i32
    %barrier3A_7 = arith.constant 0 : index
    tpu.barrier barrier_id(%barrier3A_7)
    "tpu.region"() ({
      %run_scoped3A = tpu.sem_alloc : memref<!tpu.dma_semaphore, #tpu.memory_space<semaphore_mem>>
      %dma_start3A = arith.constant 0 : i32
      %dma_start3A_8 = tpu.memref_slice %arg7[%arg0, %mul3A_0, %dma_start3A] : memref<2x10240x128xf32, #tpu.memory_space<hbm>> -> memref<1x640x128xf32, #tpu.memory_space<hbm>>
      %dma_start3A_9 = tpu.memref_squeeze %dma_start3A_8 : memref<1x640x128xf32, #tpu.memory_space<hbm>> -> memref<640x128xf32, #tpu.memory_space<hbm>>
      %dma_start3A_10 = arith.constant 0 : i32
      %dma_start3A_11 = tpu.memref_slice %arg12[%mul3A_0, %dma_start3A_10] : memref<10240x128xf32, #tpu.memory_space<vmem_shared>> -> memref<640x128xf32, #tpu.memory_space<vmem_shared>>
      tpu.enqueue_dma source(%dma_start3A_11 : memref<640x128xf32, #tpu.memory_space<vmem_shared>>) target(%dma_start3A_9 : memref<640x128xf32, #tpu.memory_space<hbm>>) target_semaphore(%run_scoped3A : memref<!tpu.dma_semaphore, #tpu.memory_space<semaphore_mem>>)
      %dma_wait3A = arith.constant 0 : i32
      %dma_wait3A_12 = tpu.memref_slice %arg7[%arg0, %mul3A_0, %dma_wait3A] : memref<2x10240x128xf32, #tpu.memory_space<hbm>> -> memref<1x640x128xf32, #tpu.memory_space<hbm>>
      %dma_wait3A_13 = tpu.memref_squeeze %dma_wait3A_12 : memref<1x640x128xf32, #tpu.memory_space<hbm>> -> memref<640x128xf32, #tpu.memory_space<hbm>>
      %dma_wait3A_14 = arith.constant 0 : i32
      %dma_wait3A_15 = tpu.memref_slice %arg12[%mul3A_0, %dma_wait3A_14] : memref<10240x128xf32, #tpu.memory_space<vmem_shared>> -> memref<640x128xf32, #tpu.memory_space<vmem_shared>>
      tpu.wait_dma2 semaphore(%run_scoped3A : memref<!tpu.dma_semaphore, #tpu.memory_space<semaphore_mem>>) src(%dma_wait3A_15 : memref<640x128xf32, #tpu.memory_space<vmem_shared>>) dst(%dma_wait3A_13 : memref<640x128xf32, #tpu.memory_space<hbm>>)
      tpu.yield
    }) : () -> ()
    "tpu.region"() ({
      %run_scoped3A = tpu.sem_alloc : memref<!tpu.dma_semaphore, #tpu.memory_space<semaphore_mem>>
      %dma_start3A = arith.constant 0 : i32
      %dma_start3A_8 = tpu.memref_slice %arg8[%arg0, %mul3A_0, %dma_start3A] : memref<2x10240x16xf32, #tpu.memory_space<hbm>> -> memref<1x640x16xf32, #tpu.memory_space<hbm>>
      %dma_start3A_9 = tpu.memref_squeeze %dma_start3A_8 : memref<1x640x16xf32, #tpu.memory_space<hbm>> -> memref<640x16xf32, #tpu.memory_space<hbm>>
      %dma_start3A_10 = arith.constant 0 : i32
      %dma_start3A_11 = tpu.memref_slice %arg13[%mul3A_0, %dma_start3A_10] : memref<10240x16xf32, #tpu.memory_space<vmem_shared>> -> memref<640x16xf32, #tpu.memory_space<vmem_shared>>
      tpu.enqueue_dma source(%dma_start3A_11 : memref<640x16xf32, #tpu.memory_space<vmem_shared>>) target(%dma_start3A_9 : memref<640x16xf32, #tpu.memory_space<hbm>>) target_semaphore(%run_scoped3A : memref<!tpu.dma_semaphore, #tpu.memory_space<semaphore_mem>>)
      %dma_wait3A = arith.constant 0 : i32
      %dma_wait3A_12 = tpu.memref_slice %arg8[%arg0, %mul3A_0, %dma_wait3A] : memref<2x10240x16xf32, #tpu.memory_space<hbm>> -> memref<1x640x16xf32, #tpu.memory_space<hbm>>
      %dma_wait3A_13 = tpu.memref_squeeze %dma_wait3A_12 : memref<1x640x16xf32, #tpu.memory_space<hbm>> -> memref<640x16xf32, #tpu.memory_space<hbm>>
      %dma_wait3A_14 = arith.constant 0 : i32
      %dma_wait3A_15 = tpu.memref_slice %arg13[%mul3A_0, %dma_wait3A_14] : memref<10240x16xf32, #tpu.memory_space<vmem_shared>> -> memref<640x16xf32, #tpu.memory_space<vmem_shared>>
      tpu.wait_dma2 semaphore(%run_scoped3A : memref<!tpu.dma_semaphore, #tpu.memory_space<semaphore_mem>>) src(%dma_wait3A_15 : memref<640x16xf32, #tpu.memory_space<vmem_shared>>) dst(%dma_wait3A_13 : memref<640x16xf32, #tpu.memory_space<hbm>>)
      tpu.yield
    }) : () -> ()
    return
  }
}

#map = affine_map<(d0, d1) -> (0, 0)>
#map1 = affine_map<(d0, d1) -> (0)>
module attributes {stable_mosaic.version = 14 : i64} {
  func.func @_gather_prod_body(%arg0: i32, %arg1: i32, %arg2: memref<10000x128xf32, #tpu.memory_space<hbm>>, %arg3: memref<10000x128xf32, #tpu.memory_space<hbm>>, %arg4: memref<10000x128xf32, #tpu.memory_space<hbm>>, %arg5: memref<320000xi32, #tpu.memory_space<hbm>>, %arg6: memref<320000xi32, #tpu.memory_space<hbm>>, %arg7: memref<320000x128xf32, #tpu.memory_space<hbm>>, %arg8: memref<320000x128xf32, #tpu.memory_space<hbm>>, %arg9: memref<80xi32, #tpu.memory_space<vmem>>, %arg10: memref<80xi32, #tpu.memory_space<vmem>>, %arg11: memref<80x128xf32, #tpu.memory_space<vmem>>, %arg12: memref<80x128xf32, #tpu.memory_space<vmem>>, %arg13: memref<80x128xf32, #tpu.memory_space<vmem>>, %arg14: memref<80x128xf32, #tpu.memory_space<vmem>>, %arg15: memref<!tpu.dma_semaphore, #tpu.memory_space<semaphore_mem>>, %arg16: memref<!tpu.dma_semaphore, #tpu.memory_space<semaphore_mem>>, %arg17: memref<!tpu.dma_semaphore, #tpu.memory_space<semaphore_mem>>) attributes {dimension_semantics = [#tpu.dimension_semantics<core_parallel>, #tpu.dimension_semantics<subcore_parallel>], iteration_bounds = array<i64: 2, 16>, scalar_prefetch = 0 : i64, scratch_operands = 9 : i64, tpu.core_type = #tpu.core_type<sc_vector_subcore>, window_params = [{transform_indices = #map}, {transform_indices = #map}, {transform_indices = #map}, {transform_indices = #map1}, {transform_indices = #map1}, {transform_indices = #map}, {transform_indices = #map}]} {
    %mul3A = arith.constant 2 : i32
    %mul3A_0 = arith.muli %arg1, %mul3A : i32
    %add3A = arith.addi %mul3A_0, %arg0 : i32
    %scan3A = arith.constant 0 : i32
    %scan3A_1 = arith.constant 0 : i32
    %scan3A_2 = arith.constant 125 : i32
    %scan3A_3 = arith.addi %scan3A_1, %scan3A_2 : i32
    %scan3A_4 = arith.constant 1 : i32
    %scan3A_5 = scf.for %scan3A_7 = %scan3A_1 to %scan3A_3 step %scan3A_4 iter_args(%scan3A_8 = %scan3A) -> (i32)  : i32 {
      %mul3A_9 = arith.constant 10000 : i32
      %mul3A_10 = arith.muli %add3A, %mul3A_9 : i32
      %mul3A_11 = arith.constant 80 : i32
      %mul3A_12 = arith.muli %scan3A_7, %mul3A_11 : i32
      %add3A_13 = arith.addi %mul3A_10, %mul3A_12 : i32
      "tpu.region"() ({
        %run_scoped3A = tpu.sem_alloc : memref<!tpu.dma_semaphore, #tpu.memory_space<semaphore_mem>>
        %dma_start3A_38 = tpu.memref_slice %arg5[%add3A_13] : memref<320000xi32, #tpu.memory_space<hbm>> -> memref<80xi32, #tpu.memory_space<hbm>>
        %dma_start3A_39 = tpu.memref_slice %arg5[%add3A_13] : memref<320000xi32, #tpu.memory_space<hbm>> -> memref<80xi32, #tpu.memory_space<hbm>>
        tpu.enqueue_dma source(%dma_start3A_39 : memref<80xi32, #tpu.memory_space<hbm>>) target(%arg9 : memref<80xi32, #tpu.memory_space<vmem>>) target_semaphore(%run_scoped3A : memref<!tpu.dma_semaphore, #tpu.memory_space<semaphore_mem>>)
        %dma_wait3A_40 = tpu.memref_slice %arg5[%add3A_13] : memref<320000xi32, #tpu.memory_space<hbm>> -> memref<80xi32, #tpu.memory_space<hbm>>
        %dma_wait3A_41 = tpu.memref_slice %arg5[%add3A_13] : memref<320000xi32, #tpu.memory_space<hbm>> -> memref<80xi32, #tpu.memory_space<hbm>>
        tpu.wait_dma2 semaphore(%run_scoped3A : memref<!tpu.dma_semaphore, #tpu.memory_space<semaphore_mem>>) src(%dma_wait3A_41 : memref<80xi32, #tpu.memory_space<hbm>>) dst(%arg9 : memref<80xi32, #tpu.memory_space<vmem>>)
        tpu.yield
      }) : () -> ()
      "tpu.region"() ({
        %run_scoped3A = tpu.sem_alloc : memref<!tpu.dma_semaphore, #tpu.memory_space<semaphore_mem>>
        %dma_start3A_38 = tpu.memref_slice %arg6[%add3A_13] : memref<320000xi32, #tpu.memory_space<hbm>> -> memref<80xi32, #tpu.memory_space<hbm>>
        %dma_start3A_39 = tpu.memref_slice %arg6[%add3A_13] : memref<320000xi32, #tpu.memory_space<hbm>> -> memref<80xi32, #tpu.memory_space<hbm>>
        tpu.enqueue_dma source(%dma_start3A_39 : memref<80xi32, #tpu.memory_space<hbm>>) target(%arg10 : memref<80xi32, #tpu.memory_space<vmem>>) target_semaphore(%run_scoped3A : memref<!tpu.dma_semaphore, #tpu.memory_space<semaphore_mem>>)
        %dma_wait3A_40 = tpu.memref_slice %arg6[%add3A_13] : memref<320000xi32, #tpu.memory_space<hbm>> -> memref<80xi32, #tpu.memory_space<hbm>>
        %dma_wait3A_41 = tpu.memref_slice %arg6[%add3A_13] : memref<320000xi32, #tpu.memory_space<hbm>> -> memref<80xi32, #tpu.memory_space<hbm>>
        tpu.wait_dma2 semaphore(%run_scoped3A : memref<!tpu.dma_semaphore, #tpu.memory_space<semaphore_mem>>) src(%dma_wait3A_41 : memref<80xi32, #tpu.memory_space<hbm>>) dst(%arg10 : memref<80xi32, #tpu.memory_space<vmem>>)
        tpu.yield
      }) : () -> ()
      %dma_start3A = arith.constant 0 : i32
      %dma_start3A_14 = arith.constant 0 : i32
      %dma_start3A_15 = tpu.memref_slice %arg2[%dma_start3A, %dma_start3A_14] : memref<10000x128xf32, #tpu.memory_space<hbm>> -> memref<10000x128xf32, #tpu.memory_space<hbm>>
      tpu.enqueue_indirect_dma source(%dma_start3A_15 : memref<10000x128xf32, #tpu.memory_space<hbm>>) target(%arg11 : memref<80x128xf32, #tpu.memory_space<vmem>>) offsets(%arg9 : memref<80xi32, #tpu.memory_space<vmem>>) semaphore(%arg15 : memref<!tpu.dma_semaphore, #tpu.memory_space<semaphore_mem>>)
      %dma_start3A_16 = arith.constant 0 : i32
      %dma_start3A_17 = arith.constant 0 : i32
      %dma_start3A_18 = tpu.memref_slice %arg3[%dma_start3A_16, %dma_start3A_17] : memref<10000x128xf32, #tpu.memory_space<hbm>> -> memref<10000x128xf32, #tpu.memory_space<hbm>>
      tpu.enqueue_indirect_dma source(%dma_start3A_18 : memref<10000x128xf32, #tpu.memory_space<hbm>>) target(%arg12 : memref<80x128xf32, #tpu.memory_space<vmem>>) offsets(%arg10 : memref<80xi32, #tpu.memory_space<vmem>>) semaphore(%arg16 : memref<!tpu.dma_semaphore, #tpu.memory_space<semaphore_mem>>)
      %dma_start3A_19 = arith.constant 0 : i32
      %dma_start3A_20 = arith.constant 0 : i32
      %dma_start3A_21 = tpu.memref_slice %arg4[%dma_start3A_19, %dma_start3A_20] : memref<10000x128xf32, #tpu.memory_space<hbm>> -> memref<10000x128xf32, #tpu.memory_space<hbm>>
      tpu.enqueue_indirect_dma source(%dma_start3A_21 : memref<10000x128xf32, #tpu.memory_space<hbm>>) target(%arg13 : memref<80x128xf32, #tpu.memory_space<vmem>>) offsets(%arg9 : memref<80xi32, #tpu.memory_space<vmem>>) semaphore(%arg17 : memref<!tpu.dma_semaphore, #tpu.memory_space<semaphore_mem>>)
      %dma_wait3A = arith.constant 0 : i32
      %dma_wait3A_22 = arith.constant 0 : i32
      %dma_wait3A_23 = tpu.memref_slice %arg2[%dma_wait3A, %dma_wait3A_22] : memref<10000x128xf32, #tpu.memory_space<hbm>> -> memref<10000x128xf32, #tpu.memory_space<hbm>>
      tpu.wait_indirect_dma semaphore(%arg15 : memref<!tpu.dma_semaphore, #tpu.memory_space<semaphore_mem>>) src(%dma_wait3A_23 : memref<10000x128xf32, #tpu.memory_space<hbm>>) dst(%arg11 : memref<80x128xf32, #tpu.memory_space<vmem>>)
      %dma_wait3A_24 = arith.constant 0 : i32
      %dma_wait3A_25 = arith.constant 0 : i32
      %dma_wait3A_26 = tpu.memref_slice %arg3[%dma_wait3A_24, %dma_wait3A_25] : memref<10000x128xf32, #tpu.memory_space<hbm>> -> memref<10000x128xf32, #tpu.memory_space<hbm>>
      tpu.wait_indirect_dma semaphore(%arg16 : memref<!tpu.dma_semaphore, #tpu.memory_space<semaphore_mem>>) src(%dma_wait3A_26 : memref<10000x128xf32, #tpu.memory_space<hbm>>) dst(%arg12 : memref<80x128xf32, #tpu.memory_space<vmem>>)
      %scan3A_27 = arith.constant 0 : i32
      %scan3A_28 = arith.constant 0 : i32
      %scan3A_29 = arith.constant 80 : i32
      %scan3A_30 = arith.addi %scan3A_28, %scan3A_29 : i32
      %scan3A_31 = arith.constant 1 : i32
      %scan3A_32 = scf.for %scan3A_38 = %scan3A_28 to %scan3A_30 step %scan3A_31 iter_args(%scan3A_39 = %scan3A_27) -> (i32)  : i32 {
        %get3A = arith.index_cast %scan3A_38 : i32 to index
        %get3A_40 = arith.constant 0 : index
        %get3A_41 = tpu.vector_load %arg11[%get3A, %get3A_40] {strides = array<i32>} : memref<80x128xf32, #tpu.memory_space<vmem>>, vector<1x16xf32>,
        %get3A_42 = vector.shape_cast %get3A_41 : vector<1x16xf32> to vector<16xf32>
        %get3A_43 = arith.index_cast %scan3A_38 : i32 to index
        %get3A_44 = arith.constant 0 : index
        %get3A_45 = tpu.vector_load %arg12[%get3A_43, %get3A_44] {strides = array<i32>} : memref<80x128xf32, #tpu.memory_space<vmem>>, vector<1x16xf32>,
        %get3A_46 = vector.shape_cast %get3A_45 : vector<1x16xf32> to vector<16xf32>
        %mul3A_47 = arith.mulf %get3A_42, %get3A_46 : vector<16xf32>
        %swap3A = arith.index_cast %scan3A_38 : i32 to index
        %swap3A_48 = arith.constant 0 : index
        %swap3A_49 = tpu.vector_load %arg14[%swap3A, %swap3A_48] {strides = array<i32>} : memref<80x128xf32, #tpu.memory_space<vmem>>, vector<1x16xf32>,
        %swap3A_50 = vector.shape_cast %swap3A_49 : vector<1x16xf32> to vector<16xf32>
        %swap3A_51 = vector.shape_cast %mul3A_47 : vector<16xf32> to vector<1x16xf32>
        tpu.vector_store %arg14[%swap3A, %swap3A_48], %swap3A_51 {strides = array<i32>} : memref<80x128xf32, #tpu.memory_space<vmem>>, vector<1x16xf32>,
        %get3A_52 = arith.index_cast %scan3A_38 : i32 to index
        %get3A_53 = arith.constant 16 : index
        %get3A_54 = tpu.vector_load %arg11[%get3A_52, %get3A_53] {strides = array<i32>} : memref<80x128xf32, #tpu.memory_space<vmem>>, vector<1x16xf32>,
        %get3A_55 = vector.shape_cast %get3A_54 : vector<1x16xf32> to vector<16xf32>
        %get3A_56 = arith.index_cast %scan3A_38 : i32 to index
        %get3A_57 = arith.constant 16 : index
        %get3A_58 = tpu.vector_load %arg12[%get3A_56, %get3A_57] {strides = array<i32>} : memref<80x128xf32, #tpu.memory_space<vmem>>, vector<1x16xf32>,
        %get3A_59 = vector.shape_cast %get3A_58 : vector<1x16xf32> to vector<16xf32>
        %mul3A_60 = arith.mulf %get3A_55, %get3A_59 : vector<16xf32>
        %swap3A_61 = arith.index_cast %scan3A_38 : i32 to index
        %swap3A_62 = arith.constant 16 : index
        %swap3A_63 = tpu.vector_load %arg14[%swap3A_61, %swap3A_62] {strides = array<i32>} : memref<80x128xf32, #tpu.memory_space<vmem>>, vector<1x16xf32>,
        %swap3A_64 = vector.shape_cast %swap3A_63 : vector<1x16xf32> to vector<16xf32>
        %swap3A_65 = vector.shape_cast %mul3A_60 : vector<16xf32> to vector<1x16xf32>
        tpu.vector_store %arg14[%swap3A_61, %swap3A_62], %swap3A_65 {strides = array<i32>} : memref<80x128xf32, #tpu.memory_space<vmem>>, vector<1x16xf32>,
        %get3A_66 = arith.index_cast %scan3A_38 : i32 to index
        %get3A_67 = arith.constant 32 : index
        %get3A_68 = tpu.vector_load %arg11[%get3A_66, %get3A_67] {strides = array<i32>} : memref<80x128xf32, #tpu.memory_space<vmem>>, vector<1x16xf32>,
        %get3A_69 = vector.shape_cast %get3A_68 : vector<1x16xf32> to vector<16xf32>
        %get3A_70 = arith.index_cast %scan3A_38 : i32 to index
        %get3A_71 = arith.constant 32 : index
        %get3A_72 = tpu.vector_load %arg12[%get3A_70, %get3A_71] {strides = array<i32>} : memref<80x128xf32, #tpu.memory_space<vmem>>, vector<1x16xf32>,
        %get3A_73 = vector.shape_cast %get3A_72 : vector<1x16xf32> to vector<16xf32>
        %mul3A_74 = arith.mulf %get3A_69, %get3A_73 : vector<16xf32>
        %swap3A_75 = arith.index_cast %scan3A_38 : i32 to index
        %swap3A_76 = arith.constant 32 : index
        %swap3A_77 = tpu.vector_load %arg14[%swap3A_75, %swap3A_76] {strides = array<i32>} : memref<80x128xf32, #tpu.memory_space<vmem>>, vector<1x16xf32>,
        %swap3A_78 = vector.shape_cast %swap3A_77 : vector<1x16xf32> to vector<16xf32>
        %swap3A_79 = vector.shape_cast %mul3A_74 : vector<16xf32> to vector<1x16xf32>
        tpu.vector_store %arg14[%swap3A_75, %swap3A_76], %swap3A_79 {strides = array<i32>} : memref<80x128xf32, #tpu.memory_space<vmem>>, vector<1x16xf32>,
        %get3A_80 = arith.index_cast %scan3A_38 : i32 to index
        %get3A_81 = arith.constant 48 : index
        %get3A_82 = tpu.vector_load %arg11[%get3A_80, %get3A_81] {strides = array<i32>} : memref<80x128xf32, #tpu.memory_space<vmem>>, vector<1x16xf32>,
        %get3A_83 = vector.shape_cast %get3A_82 : vector<1x16xf32> to vector<16xf32>
        %get3A_84 = arith.index_cast %scan3A_38 : i32 to index
        %get3A_85 = arith.constant 48 : index
        %get3A_86 = tpu.vector_load %arg12[%get3A_84, %get3A_85] {strides = array<i32>} : memref<80x128xf32, #tpu.memory_space<vmem>>, vector<1x16xf32>,
        %get3A_87 = vector.shape_cast %get3A_86 : vector<1x16xf32> to vector<16xf32>
        %mul3A_88 = arith.mulf %get3A_83, %get3A_87 : vector<16xf32>
        %swap3A_89 = arith.index_cast %scan3A_38 : i32 to index
        %swap3A_90 = arith.constant 48 : index
        %swap3A_91 = tpu.vector_load %arg14[%swap3A_89, %swap3A_90] {strides = array<i32>} : memref<80x128xf32, #tpu.memory_space<vmem>>, vector<1x16xf32>,
        %swap3A_92 = vector.shape_cast %swap3A_91 : vector<1x16xf32> to vector<16xf32>
        %swap3A_93 = vector.shape_cast %mul3A_88 : vector<16xf32> to vector<1x16xf32>
        tpu.vector_store %arg14[%swap3A_89, %swap3A_90], %swap3A_93 {strides = array<i32>} : memref<80x128xf32, #tpu.memory_space<vmem>>, vector<1x16xf32>,
        %get3A_94 = arith.index_cast %scan3A_38 : i32 to index
        %get3A_95 = arith.constant 64 : index
        %get3A_96 = tpu.vector_load %arg11[%get3A_94, %get3A_95] {strides = array<i32>} : memref<80x128xf32, #tpu.memory_space<vmem>>, vector<1x16xf32>,
        %get3A_97 = vector.shape_cast %get3A_96 : vector<1x16xf32> to vector<16xf32>
        %get3A_98 = arith.index_cast %scan3A_38 : i32 to index
        %get3A_99 = arith.constant 64 : index
        %get3A_100 = tpu.vector_load %arg12[%get3A_98, %get3A_99] {strides = array<i32>} : memref<80x128xf32, #tpu.memory_space<vmem>>, vector<1x16xf32>,
        %get3A_101 = vector.shape_cast %get3A_100 : vector<1x16xf32> to vector<16xf32>
        %mul3A_102 = arith.mulf %get3A_97, %get3A_101 : vector<16xf32>
        %swap3A_103 = arith.index_cast %scan3A_38 : i32 to index
        %swap3A_104 = arith.constant 64 : index
        %swap3A_105 = tpu.vector_load %arg14[%swap3A_103, %swap3A_104] {strides = array<i32>} : memref<80x128xf32, #tpu.memory_space<vmem>>, vector<1x16xf32>,
        %swap3A_106 = vector.shape_cast %swap3A_105 : vector<1x16xf32> to vector<16xf32>
        %swap3A_107 = vector.shape_cast %mul3A_102 : vector<16xf32> to vector<1x16xf32>
        tpu.vector_store %arg14[%swap3A_103, %swap3A_104], %swap3A_107 {strides = array<i32>} : memref<80x128xf32, #tpu.memory_space<vmem>>, vector<1x16xf32>,
        %get3A_108 = arith.index_cast %scan3A_38 : i32 to index
        %get3A_109 = arith.constant 80 : index
        %get3A_110 = tpu.vector_load %arg11[%get3A_108, %get3A_109] {strides = array<i32>} : memref<80x128xf32, #tpu.memory_space<vmem>>, vector<1x16xf32>,
        %get3A_111 = vector.shape_cast %get3A_110 : vector<1x16xf32> to vector<16xf32>
        %get3A_112 = arith.index_cast %scan3A_38 : i32 to index
        %get3A_113 = arith.constant 80 : index
        %get3A_114 = tpu.vector_load %arg12[%get3A_112, %get3A_113] {strides = array<i32>} : memref<80x128xf32, #tpu.memory_space<vmem>>, vector<1x16xf32>,
        %get3A_115 = vector.shape_cast %get3A_114 : vector<1x16xf32> to vector<16xf32>
        %mul3A_116 = arith.mulf %get3A_111, %get3A_115 : vector<16xf32>
        %swap3A_117 = arith.index_cast %scan3A_38 : i32 to index
        %swap3A_118 = arith.constant 80 : index
        %swap3A_119 = tpu.vector_load %arg14[%swap3A_117, %swap3A_118] {strides = array<i32>} : memref<80x128xf32, #tpu.memory_space<vmem>>, vector<1x16xf32>,
        %swap3A_120 = vector.shape_cast %swap3A_119 : vector<1x16xf32> to vector<16xf32>
        %swap3A_121 = vector.shape_cast %mul3A_116 : vector<16xf32> to vector<1x16xf32>
        tpu.vector_store %arg14[%swap3A_117, %swap3A_118], %swap3A_121 {strides = array<i32>} : memref<80x128xf32, #tpu.memory_space<vmem>>, vector<1x16xf32>,
        %get3A_122 = arith.index_cast %scan3A_38 : i32 to index
        %get3A_123 = arith.constant 96 : index
        %get3A_124 = tpu.vector_load %arg11[%get3A_122, %get3A_123] {strides = array<i32>} : memref<80x128xf32, #tpu.memory_space<vmem>>, vector<1x16xf32>,
        %get3A_125 = vector.shape_cast %get3A_124 : vector<1x16xf32> to vector<16xf32>
        %get3A_126 = arith.index_cast %scan3A_38 : i32 to index
        %get3A_127 = arith.constant 96 : index
        %get3A_128 = tpu.vector_load %arg12[%get3A_126, %get3A_127] {strides = array<i32>} : memref<80x128xf32, #tpu.memory_space<vmem>>, vector<1x16xf32>,
        %get3A_129 = vector.shape_cast %get3A_128 : vector<1x16xf32> to vector<16xf32>
        %mul3A_130 = arith.mulf %get3A_125, %get3A_129 : vector<16xf32>
        %swap3A_131 = arith.index_cast %scan3A_38 : i32 to index
        %swap3A_132 = arith.constant 96 : index
        %swap3A_133 = tpu.vector_load %arg14[%swap3A_131, %swap3A_132] {strides = array<i32>} : memref<80x128xf32, #tpu.memory_space<vmem>>, vector<1x16xf32>,
        %swap3A_134 = vector.shape_cast %swap3A_133 : vector<1x16xf32> to vector<16xf32>
        %swap3A_135 = vector.shape_cast %mul3A_130 : vector<16xf32> to vector<1x16xf32>
        tpu.vector_store %arg14[%swap3A_131, %swap3A_132], %swap3A_135 {strides = array<i32>} : memref<80x128xf32, #tpu.memory_space<vmem>>, vector<1x16xf32>,
        %get3A_136 = arith.index_cast %scan3A_38 : i32 to index
        %get3A_137 = arith.constant 112 : index
        %get3A_138 = tpu.vector_load %arg11[%get3A_136, %get3A_137] {strides = array<i32>} : memref<80x128xf32, #tpu.memory_space<vmem>>, vector<1x16xf32>,
        %get3A_139 = vector.shape_cast %get3A_138 : vector<1x16xf32> to vector<16xf32>
        %get3A_140 = arith.index_cast %scan3A_38 : i32 to index
        %get3A_141 = arith.constant 112 : index
        %get3A_142 = tpu.vector_load %arg12[%get3A_140, %get3A_141] {strides = array<i32>} : memref<80x128xf32, #tpu.memory_space<vmem>>, vector<1x16xf32>,
        %get3A_143 = vector.shape_cast %get3A_142 : vector<1x16xf32> to vector<16xf32>
        %mul3A_144 = arith.mulf %get3A_139, %get3A_143 : vector<16xf32>
        %swap3A_145 = arith.index_cast %scan3A_38 : i32 to index
        %swap3A_146 = arith.constant 112 : index
        %swap3A_147 = tpu.vector_load %arg14[%swap3A_145, %swap3A_146] {strides = array<i32>} : memref<80x128xf32, #tpu.memory_space<vmem>>, vector<1x16xf32>,
        %swap3A_148 = vector.shape_cast %swap3A_147 : vector<1x16xf32> to vector<16xf32>
        %swap3A_149 = vector.shape_cast %mul3A_144 : vector<16xf32> to vector<1x16xf32>
        tpu.vector_store %arg14[%swap3A_145, %swap3A_146], %swap3A_149 {strides = array<i32>} : memref<80x128xf32, #tpu.memory_space<vmem>>, vector<1x16xf32>,
        %scan3A_150 = arith.constant 0 : i32
        scf.yield %scan3A_150 : i32
      }
      %scan3A_33 = arith.constant 80 : i32
      "tpu.region"() ({
        %run_scoped3A = tpu.sem_alloc : memref<!tpu.dma_semaphore, #tpu.memory_space<semaphore_mem>>
        %dma_start3A_38 = arith.constant 0 : i32
        %dma_start3A_39 = tpu.memref_slice %arg7[%add3A_13, %dma_start3A_38] : memref<320000x128xf32, #tpu.memory_space<hbm>> -> memref<80x128xf32, #tpu.memory_space<hbm>>
        %dma_start3A_40 = arith.constant 0 : i32
        %dma_start3A_41 = tpu.memref_slice %arg7[%add3A_13, %dma_start3A_40] : memref<320000x128xf32, #tpu.memory_space<hbm>> -> memref<80x128xf32, #tpu.memory_space<hbm>>
        tpu.enqueue_dma source(%arg14 : memref<80x128xf32, #tpu.memory_space<vmem>>) target(%dma_start3A_41 : memref<80x128xf32, #tpu.memory_space<hbm>>) target_semaphore(%run_scoped3A : memref<!tpu.dma_semaphore, #tpu.memory_space<semaphore_mem>>)
        %dma_wait3A_42 = arith.constant 0 : i32
        %dma_wait3A_43 = tpu.memref_slice %arg7[%add3A_13, %dma_wait3A_42] : memref<320000x128xf32, #tpu.memory_space<hbm>> -> memref<80x128xf32, #tpu.memory_space<hbm>>
        %dma_wait3A_44 = arith.constant 0 : i32
        %dma_wait3A_45 = tpu.memref_slice %arg7[%add3A_13, %dma_wait3A_44] : memref<320000x128xf32, #tpu.memory_space<hbm>> -> memref<80x128xf32, #tpu.memory_space<hbm>>
        tpu.wait_dma2 semaphore(%run_scoped3A : memref<!tpu.dma_semaphore, #tpu.memory_space<semaphore_mem>>) src(%arg14 : memref<80x128xf32, #tpu.memory_space<vmem>>) dst(%dma_wait3A_45 : memref<80x128xf32, #tpu.memory_space<hbm>>)
        tpu.yield
      }) : () -> ()
      %dma_wait3A_34 = arith.constant 0 : i32
      %dma_wait3A_35 = arith.constant 0 : i32
      %dma_wait3A_36 = tpu.memref_slice %arg4[%dma_wait3A_34, %dma_wait3A_35] : memref<10000x128xf32, #tpu.memory_space<hbm>> -> memref<10000x128xf32, #tpu.memory_space<hbm>>
      tpu.wait_indirect_dma semaphore(%arg17 : memref<!tpu.dma_semaphore, #tpu.memory_space<semaphore_mem>>) src(%dma_wait3A_36 : memref<10000x128xf32, #tpu.memory_space<hbm>>) dst(%arg13 : memref<80x128xf32, #tpu.memory_space<vmem>>)
      "tpu.region"() ({
        %run_scoped3A = tpu.sem_alloc : memref<!tpu.dma_semaphore, #tpu.memory_space<semaphore_mem>>
        %dma_start3A_38 = arith.constant 0 : i32
        %dma_start3A_39 = tpu.memref_slice %arg8[%add3A_13, %dma_start3A_38] : memref<320000x128xf32, #tpu.memory_space<hbm>> -> memref<80x128xf32, #tpu.memory_space<hbm>>
        %dma_start3A_40 = arith.constant 0 : i32
        %dma_start3A_41 = tpu.memref_slice %arg8[%add3A_13, %dma_start3A_40] : memref<320000x128xf32, #tpu.memory_space<hbm>> -> memref<80x128xf32, #tpu.memory_space<hbm>>
        tpu.enqueue_dma source(%arg13 : memref<80x128xf32, #tpu.memory_space<vmem>>) target(%dma_start3A_41 : memref<80x128xf32, #tpu.memory_space<hbm>>) target_semaphore(%run_scoped3A : memref<!tpu.dma_semaphore, #tpu.memory_space<semaphore_mem>>)
        %dma_wait3A_42 = arith.constant 0 : i32
        %dma_wait3A_43 = tpu.memref_slice %arg8[%add3A_13, %dma_wait3A_42] : memref<320000x128xf32, #tpu.memory_space<hbm>> -> memref<80x128xf32, #tpu.memory_space<hbm>>
        %dma_wait3A_44 = arith.constant 0 : i32
        %dma_wait3A_45 = tpu.memref_slice %arg8[%add3A_13, %dma_wait3A_44] : memref<320000x128xf32, #tpu.memory_space<hbm>> -> memref<80x128xf32, #tpu.memory_space<hbm>>
        tpu.wait_dma2 semaphore(%run_scoped3A : memref<!tpu.dma_semaphore, #tpu.memory_space<semaphore_mem>>) src(%arg13 : memref<80x128xf32, #tpu.memory_space<vmem>>) dst(%dma_wait3A_45 : memref<80x128xf32, #tpu.memory_space<hbm>>)
        tpu.yield
      }) : () -> ()
      %scan3A_37 = arith.constant 0 : i32
      scf.yield %scan3A_37 : i32
    }
    %scan3A_6 = arith.constant 125 : i32
    return
  }
}

module attributes {stable_mosaic.version = 14 : i64} {
  func.func @_qkv_body(%arg0: i32, %arg1: memref<2048x128xf32, #tpu.memory_space<vmem>>, %arg2: memref<128x128xf32, #tpu.memory_space<vmem>>, %arg3: memref<128x128xf32, #tpu.memory_space<vmem>>, %arg4: memref<128x128xf32, #tpu.memory_space<vmem>>, %arg5: memref<2048x128xf32, #tpu.memory_space<vmem>>, %arg6: memref<2048x128xf32, #tpu.memory_space<vmem>>, %arg7: memref<2048x128xf32, #tpu.memory_space<vmem>>) attributes {dimension_semantics = [#tpu.dimension_semantics<arbitrary>], iteration_bounds = array<i64: 5>, scalar_prefetch = 0 : i64, scratch_operands = 0 : i64, tpu.core_type = #tpu.core_type<tc>, window_params = [{transform_indices = @transform_0, window_bounds = array<i64: 2048, 128>}, {pipeline_mode = #tpu.pipeline_mode<synchronous>, transform_indices = @transform_1, window_bounds = array<i64: 128, 128>}, {pipeline_mode = #tpu.pipeline_mode<synchronous>, transform_indices = @transform_2, window_bounds = array<i64: 128, 128>}, {pipeline_mode = #tpu.pipeline_mode<synchronous>, transform_indices = @transform_3, window_bounds = array<i64: 128, 128>}, {transform_indices = @transform_4, window_bounds = array<i64: 2048, 128>}, {transform_indices = @transform_5, window_bounds = array<i64: 2048, 128>}, {transform_indices = @transform_6, window_bounds = array<i64: 2048, 128>}]} {
    %get3A = arith.constant 0 : index
    %get3A_0 = arith.constant 0 : index
    %get3A_1 = vector.load %arg1[%get3A, %get3A_0] : memref<2048x128xf32, #tpu.memory_space<vmem>>, vector<2048x128xf32>
    %get3A_2 = arith.constant 0 : index
    %get3A_3 = arith.constant 0 : index
    %get3A_4 = vector.load %arg2[%get3A_2, %get3A_3] : memref<128x128xf32, #tpu.memory_space<vmem>>, vector<128x128xf32>
    %dot_general3A = arith.constant dense<0.000000e+00> : vector<2048x128xf32>
    %dot_general3A_5 = tpu.matmul %get3A_1, %get3A_4, %dot_general3A {dimension_numbers = #tpu.dot_dimension_numbers<[1], [0], [0], [1], [0, 0, 1, 1], [], []>, transpose_lhs_hint = false} : vector<2048x128xf32>, vector<128x128xf32>, vector<2048x128xf32> -> vector<2048x128xf32>
    %swap3A = arith.constant 0 : index
    %swap3A_6 = arith.constant 0 : index
    %swap3A_7 = vector.load %arg5[%swap3A, %swap3A_6] : memref<2048x128xf32, #tpu.memory_space<vmem>>, vector<2048x128xf32>
    tpu.vector_store %arg5[%swap3A, %swap3A_6], %dot_general3A_5 {strides = array<i32>} : memref<2048x128xf32, #tpu.memory_space<vmem>>, vector<2048x128xf32>,
    %get3A_8 = arith.constant 0 : index
    %get3A_9 = arith.constant 0 : index
    %get3A_10 = vector.load %arg3[%get3A_8, %get3A_9] : memref<128x128xf32, #tpu.memory_space<vmem>>, vector<128x128xf32>
    %dot_general3A_11 = arith.constant dense<0.000000e+00> : vector<2048x128xf32>
    %dot_general3A_12 = tpu.matmul %get3A_1, %get3A_10, %dot_general3A_11 {dimension_numbers = #tpu.dot_dimension_numbers<[1], [0], [0], [1], [0, 0, 1, 1], [], []>, transpose_lhs_hint = false} : vector<2048x128xf32>, vector<128x128xf32>, vector<2048x128xf32> -> vector<2048x128xf32>
    %swap3A_13 = arith.constant 0 : index
    %swap3A_14 = arith.constant 0 : index
    %swap3A_15 = vector.load %arg6[%swap3A_13, %swap3A_14] : memref<2048x128xf32, #tpu.memory_space<vmem>>, vector<2048x128xf32>
    tpu.vector_store %arg6[%swap3A_13, %swap3A_14], %dot_general3A_12 {strides = array<i32>} : memref<2048x128xf32, #tpu.memory_space<vmem>>, vector<2048x128xf32>,
    %get3A_16 = arith.constant 0 : index
    %get3A_17 = arith.constant 0 : index
    %get3A_18 = vector.load %arg4[%get3A_16, %get3A_17] : memref<128x128xf32, #tpu.memory_space<vmem>>, vector<128x128xf32>
    %dot_general3A_19 = arith.constant dense<0.000000e+00> : vector<2048x128xf32>
    %dot_general3A_20 = tpu.matmul %get3A_1, %get3A_18, %dot_general3A_19 {dimension_numbers = #tpu.dot_dimension_numbers<[1], [0], [0], [1], [0, 0, 1, 1], [], []>, transpose_lhs_hint = false} : vector<2048x128xf32>, vector<128x128xf32>, vector<2048x128xf32> -> vector<2048x128xf32>
    %swap3A_21 = arith.constant 0 : index
    %swap3A_22 = arith.constant 0 : index
    %swap3A_23 = vector.load %arg7[%swap3A_21, %swap3A_22] : memref<2048x128xf32, #tpu.memory_space<vmem>>, vector<2048x128xf32>
    tpu.vector_store %arg7[%swap3A_21, %swap3A_22], %dot_general3A_20 {strides = array<i32>} : memref<2048x128xf32, #tpu.memory_space<vmem>>, vector<2048x128xf32>,
    return
  }
  func.func @transform_0(%arg0: i32) -> (i32, i32) {
    %c0_i32 = arith.constant 0 : i32
    %c0_i32_0 = arith.constant 0 : i32
    return %arg0, %c0_i32 : i32, i32
  }
  func.func @transform_1(%arg0: i32) -> (i32, i32) {
    %c0_i32 = arith.constant 0 : i32
    %c0_i32_0 = arith.constant 0 : i32
    %c0_i32_1 = arith.constant 0 : i32
    return %c0_i32, %c0_i32_0 : i32, i32
  }
  func.func @transform_2(%arg0: i32) -> (i32, i32) {
    %c0_i32 = arith.constant 0 : i32
    %c0_i32_0 = arith.constant 0 : i32
    %c0_i32_1 = arith.constant 0 : i32
    return %c0_i32, %c0_i32_0 : i32, i32
  }
  func.func @transform_3(%arg0: i32) -> (i32, i32) {
    %c0_i32 = arith.constant 0 : i32
    %c0_i32_0 = arith.constant 0 : i32
    %c0_i32_1 = arith.constant 0 : i32
    return %c0_i32, %c0_i32_0 : i32, i32
  }
  func.func @transform_4(%arg0: i32) -> (i32, i32) {
    %c0_i32 = arith.constant 0 : i32
    %c0_i32_0 = arith.constant 0 : i32
    return %arg0, %c0_i32 : i32, i32
  }
  func.func @transform_5(%arg0: i32) -> (i32, i32) {
    %c0_i32 = arith.constant 0 : i32
    %c0_i32_0 = arith.constant 0 : i32
    return %arg0, %c0_i32 : i32, i32
  }
  func.func @transform_6(%arg0: i32) -> (i32, i32) {
    %c0_i32 = arith.constant 0 : i32
    %c0_i32_0 = arith.constant 0 : i32
    return %arg0, %c0_i32 : i32, i32
  }
}

module attributes {stable_mosaic.version = 14 : i64} {
  func.func @_edge_score_body(%arg0: i32, %arg1: memref<2560x128xf32, #tpu.memory_space<vmem>>, %arg2: memref<2560x128xf32, #tpu.memory_space<vmem>>, %arg3: memref<2560x128xf32, #tpu.memory_space<vmem>>, %arg4: memref<128x128xf32, #tpu.memory_space<vmem>>, %arg5: memref<128x16xf32, #tpu.memory_space<vmem>>, %arg6: memref<2560x128xf32, #tpu.memory_space<vmem>>, %arg7: memref<2560x16xf32, #tpu.memory_space<vmem>>, %arg8: memref<2560x128xf32, #tpu.memory_space<vmem>>) attributes {dimension_semantics = [#tpu.dimension_semantics<arbitrary>], iteration_bounds = array<i64: 125>, scalar_prefetch = 0 : i64, scratch_operands = 0 : i64, tpu.core_type = #tpu.core_type<tc>, window_params = [{transform_indices = @transform_0, window_bounds = array<i64: 2560, 128>}, {transform_indices = @transform_1, window_bounds = array<i64: 2560, 128>}, {transform_indices = @transform_2, window_bounds = array<i64: 2560, 128>}, {pipeline_mode = #tpu.pipeline_mode<synchronous>, transform_indices = @transform_3, window_bounds = array<i64: 128, 128>}, {pipeline_mode = #tpu.pipeline_mode<synchronous>, transform_indices = @transform_4, window_bounds = array<i64: 128, 16>}, {transform_indices = @transform_5, window_bounds = array<i64: 2560, 128>}, {transform_indices = @transform_6, window_bounds = array<i64: 2560, 16>}, {transform_indices = @transform_7, window_bounds = array<i64: 2560, 128>}]} {
    %get3A = arith.constant 0 : index
    %get3A_0 = arith.constant 0 : index
    %get3A_1 = vector.load %arg1[%get3A, %get3A_0] : memref<2560x128xf32, #tpu.memory_space<vmem>>, vector<2560x128xf32>
    %get3A_2 = arith.constant 0 : index
    %get3A_3 = arith.constant 0 : index
    %get3A_4 = vector.load %arg4[%get3A_2, %get3A_3] : memref<128x128xf32, #tpu.memory_space<vmem>>, vector<128x128xf32>
    %dot_general3A = arith.constant dense<0.000000e+00> : vector<2560x128xf32>
    %dot_general3A_5 = tpu.matmul %get3A_1, %get3A_4, %dot_general3A {dimension_numbers = #tpu.dot_dimension_numbers<[1], [0], [0], [1], [0, 0, 1, 1], [], []>, transpose_lhs_hint = false} : vector<2560x128xf32>, vector<128x128xf32>, vector<2560x128xf32> -> vector<2560x128xf32>
    %get3A_6 = arith.constant 0 : index
    %get3A_7 = arith.constant 0 : index
    %get3A_8 = vector.load %arg2[%get3A_6, %get3A_7] : memref<2560x128xf32, #tpu.memory_space<vmem>>, vector<2560x128xf32>
    %mul3A = arith.mulf %get3A_8, %dot_general3A_5 : vector<2560x128xf32>
    %mul3A_9 = arith.constant 2.500000e-01 : f32
    %mul3A_10 = vector.broadcast %mul3A_9 : f32 to vector<2560x128xf32>
    %mul3A_11 = arith.mulf %mul3A, %mul3A_10 : vector<2560x128xf32>
    %swap3A = arith.constant 0 : index
    %swap3A_12 = arith.constant 0 : index
    %swap3A_13 = vector.load %arg6[%swap3A, %swap3A_12] : memref<2560x128xf32, #tpu.memory_space<vmem>>, vector<2560x128xf32>
    tpu.vector_store %arg6[%swap3A, %swap3A_12], %mul3A_11 {strides = array<i32>} : memref<2560x128xf32, #tpu.memory_space<vmem>>, vector<2560x128xf32>,
    %get3A_14 = arith.constant 0 : index
    %get3A_15 = arith.constant 0 : index
    %get3A_16 = vector.load %arg5[%get3A_14, %get3A_15] : memref<128x16xf32, #tpu.memory_space<vmem>>, vector<128x16xf32>
    %dot_general3A_17 = arith.constant dense<0.000000e+00> : vector<2560x16xf32>
    %dot_general3A_18 = tpu.matmul %mul3A_11, %get3A_16, %dot_general3A_17 {dimension_numbers = #tpu.dot_dimension_numbers<[1], [0], [0], [1], [0, 0, 1, 1], [], []>, transpose_lhs_hint = false} : vector<2560x128xf32>, vector<128x16xf32>, vector<2560x16xf32> -> vector<2560x16xf32>
    %jit3A = arith.constant -5.000000e+00 : f32
    %jit3A_19 = arith.constant 5.000000e+00 : f32
    %max3A = vector.broadcast %jit3A : f32 to vector<2560x16xf32>
    %max3A_20 = arith.maximumf %max3A, %dot_general3A_18 : vector<2560x16xf32>
    %min3A = vector.broadcast %jit3A_19 : f32 to vector<2560x16xf32>
    %min3A_21 = arith.minimumf %min3A, %max3A_20 : vector<2560x16xf32>
    %exp3A = math.exp %min3A_21 : vector<2560x16xf32>
    %swap3A_22 = arith.constant 0 : index
    %swap3A_23 = arith.constant 0 : index
    %swap3A_24 = vector.load %arg7[%swap3A_22, %swap3A_23] : memref<2560x16xf32, #tpu.memory_space<vmem>>, vector<2560x16xf32>
    tpu.vector_store %arg7[%swap3A_22, %swap3A_23], %exp3A {strides = array<i32>} : memref<2560x16xf32, #tpu.memory_space<vmem>>, vector<2560x16xf32>,
    %concatenate3A = tpu.concatenate %exp3A, %exp3A, %exp3A, %exp3A, %exp3A, %exp3A, %exp3A, %exp3A in 1 : vector<2560x16xf32>, vector<2560x16xf32>, vector<2560x16xf32>, vector<2560x16xf32>, vector<2560x16xf32>, vector<2560x16xf32>, vector<2560x16xf32>, vector<2560x16xf32> -> vector<2560x128xf32>
    %get3A_25 = arith.constant 0 : index
    %get3A_26 = arith.constant 0 : index
    %get3A_27 = vector.load %arg3[%get3A_25, %get3A_26] : memref<2560x128xf32, #tpu.memory_space<vmem>>, vector<2560x128xf32>
    %mul3A_28 = arith.mulf %get3A_27, %concatenate3A : vector<2560x128xf32>
    %swap3A_29 = arith.constant 0 : index
    %swap3A_30 = arith.constant 0 : index
    %swap3A_31 = vector.load %arg8[%swap3A_29, %swap3A_30] : memref<2560x128xf32, #tpu.memory_space<vmem>>, vector<2560x128xf32>
    tpu.vector_store %arg8[%swap3A_29, %swap3A_30], %mul3A_28 {strides = array<i32>} : memref<2560x128xf32, #tpu.memory_space<vmem>>, vector<2560x128xf32>,
    return
  }
  func.func @transform_0(%arg0: i32) -> (i32, i32) {
    %c0_i32 = arith.constant 0 : i32
    %c0_i32_0 = arith.constant 0 : i32
    return %arg0, %c0_i32 : i32, i32
  }
  func.func @transform_1(%arg0: i32) -> (i32, i32) {
    %c0_i32 = arith.constant 0 : i32
    %c0_i32_0 = arith.constant 0 : i32
    return %arg0, %c0_i32 : i32, i32
  }
  func.func @transform_2(%arg0: i32) -> (i32, i32) {
    %c0_i32 = arith.constant 0 : i32
    %c0_i32_0 = arith.constant 0 : i32
    return %arg0, %c0_i32 : i32, i32
  }
  func.func @transform_3(%arg0: i32) -> (i32, i32) {
    %c0_i32 = arith.constant 0 : i32
    %c0_i32_0 = arith.constant 0 : i32
    %c0_i32_1 = arith.constant 0 : i32
    return %c0_i32, %c0_i32_0 : i32, i32
  }
  func.func @transform_4(%arg0: i32) -> (i32, i32) {
    %c0_i32 = arith.constant 0 : i32
    %c0_i32_0 = arith.constant 0 : i32
    %c0_i32_1 = arith.constant 0 : i32
    return %c0_i32, %c0_i32_0 : i32, i32
  }
  func.func @transform_5(%arg0: i32) -> (i32, i32) {
    %c0_i32 = arith.constant 0 : i32
    %c0_i32_0 = arith.constant 0 : i32
    return %arg0, %c0_i32 : i32, i32
  }
  func.func @transform_6(%arg0: i32) -> (i32, i32) {
    %c0_i32 = arith.constant 0 : i32
    %c0_i32_0 = arith.constant 0 : i32
    return %arg0, %c0_i32 : i32, i32
  }
  func.func @transform_7(%arg0: i32) -> (i32, i32) {
    %c0_i32 = arith.constant 0 : i32
    %c0_i32_0 = arith.constant 0 : i32
    return %arg0, %c0_i32 : i32, i32
  }
}

module attributes {stable_mosaic.version = 14 : i64} {
  func.func @_edge_ffn_body(%arg0: i32, %arg1: memref<2560x128xf32, #tpu.memory_space<vmem>>, %arg2: memref<2560x128xf32, #tpu.memory_space<vmem>>, %arg3: memref<128x128xf32, #tpu.memory_space<vmem>>, %arg4: memref<128xf32, #tpu.memory_space<vmem>>, %arg5: memref<128xf32, #tpu.memory_space<vmem>>, %arg6: memref<128xf32, #tpu.memory_space<vmem>>, %arg7: memref<128x256xf32, #tpu.memory_space<vmem>>, %arg8: memref<256xf32, #tpu.memory_space<vmem>>, %arg9: memref<256x128xf32, #tpu.memory_space<vmem>>, %arg10: memref<128xf32, #tpu.memory_space<vmem>>, %arg11: memref<128xf32, #tpu.memory_space<vmem>>, %arg12: memref<128xf32, #tpu.memory_space<vmem>>, %arg13: memref<2560x128xf32, #tpu.memory_space<vmem>>) attributes {dimension_semantics = [#tpu.dimension_semantics<arbitrary>], iteration_bounds = array<i64: 125>, scalar_prefetch = 0 : i64, scratch_operands = 0 : i64, tpu.core_type = #tpu.core_type<tc>, window_params = [{transform_indices = @transform_0, window_bounds = array<i64: 2560, 128>}, {transform_indices = @transform_1, window_bounds = array<i64: 2560, 128>}, {pipeline_mode = #tpu.pipeline_mode<synchronous>, transform_indices = @transform_2, window_bounds = array<i64: 128, 128>}, {pipeline_mode = #tpu.pipeline_mode<synchronous>, transform_indices = @transform_3, window_bounds = array<i64: 128>}, {pipeline_mode = #tpu.pipeline_mode<synchronous>, transform_indices = @transform_4, window_bounds = array<i64: 128>}, {pipeline_mode = #tpu.pipeline_mode<synchronous>, transform_indices = @transform_5, window_bounds = array<i64: 128>}, {pipeline_mode = #tpu.pipeline_mode<synchronous>, transform_indices = @transform_6, window_bounds = array<i64: 128, 256>}, {pipeline_mode = #tpu.pipeline_mode<synchronous>, transform_indices = @transform_7, window_bounds = array<i64: 256>}, {pipeline_mode = #tpu.pipeline_mode<synchronous>, transform_indices = @transform_8, window_bounds = array<i64: 256, 128>}, {pipeline_mode = #tpu.pipeline_mode<synchronous>, transform_indices = @transform_9, window_bounds = array<i64: 128>}, {pipeline_mode = #tpu.pipeline_mode<synchronous>, transform_indices = @transform_10, window_bounds = array<i64: 128>}, {pipeline_mode = #tpu.pipeline_mode<synchronous>, transform_indices = @transform_11, window_bounds = array<i64: 128>}, {transform_indices = @transform_12, window_bounds = array<i64: 2560, 128>}]} {
    %get3A = arith.constant 0 : index
    %get3A_0 = arith.constant 0 : index
    %get3A_1 = vector.load %arg1[%get3A, %get3A_0] : memref<2560x128xf32, #tpu.memory_space<vmem>>, vector<2560x128xf32>
    %get3A_2 = arith.constant 0 : index
    %get3A_3 = arith.constant 0 : index
    %get3A_4 = vector.load %arg2[%get3A_2, %get3A_3] : memref<2560x128xf32, #tpu.memory_space<vmem>>, vector<2560x128xf32>
    %get3A_5 = arith.constant 0 : index
    %get3A_6 = arith.constant 0 : index
    %get3A_7 = vector.load %arg3[%get3A_5, %get3A_6] : memref<128x128xf32, #tpu.memory_space<vmem>>, vector<128x128xf32>
    %dot_general3A = arith.constant dense<0.000000e+00> : vector<2560x128xf32>
    %dot_general3A_8 = tpu.matmul %get3A_4, %get3A_7, %dot_general3A {dimension_numbers = #tpu.dot_dimension_numbers<[1], [0], [0], [1], [0, 0, 1, 1], [], []>, transpose_lhs_hint = false} : vector<2560x128xf32>, vector<128x128xf32>, vector<2560x128xf32> -> vector<2560x128xf32>
    %get3A_9 = arith.constant 0 : index
    %get3A_10 = vector.load %arg4[%get3A_9] : memref<128xf32, #tpu.memory_space<vmem>>, vector<128xf32>
    %broadcast_in_dim3A = vector.shape_cast %get3A_10 : vector<128xf32> to vector<1x128xf32>
    %add3A = vector.broadcast %broadcast_in_dim3A : vector<1x128xf32> to vector<2560x128xf32>
    %add3A_11 = arith.addf %dot_general3A_8, %add3A : vector<2560x128xf32>
    %add3A_12 = arith.addf %get3A_1, %add3A_11 : vector<2560x128xf32>
    %get3A_13 = arith.constant 0 : index
    %get3A_14 = vector.load %arg5[%get3A_13] : memref<128xf32, #tpu.memory_space<vmem>>, vector<128xf32>
    %get3A_15 = arith.constant 0 : index
    %get3A_16 = vector.load %arg6[%get3A_15] : memref<128xf32, #tpu.memory_space<vmem>>, vector<128xf32>
    %reduce_sum3A = arith.constant dense<0.000000e+00> : vector<2560xf32>
    %reduce_sum3A_17 = vector.multi_reduction <add>, %add3A_12, %reduce_sum3A [1] : vector<2560x128xf32> to vector<2560xf32>
    %broadcast_in_dim3A_18 = vector.shape_cast %reduce_sum3A_17 : vector<2560xf32> to vector<2560x1xf32>
    %div3A = arith.constant 1.280000e+02 : f32
    %div3A_19 = vector.broadcast %div3A : f32 to vector<2560x1xf32>
    %div3A_20 = arith.divf %broadcast_in_dim3A_18, %div3A_19 : vector<2560x1xf32>
    %jit3A = arith.constant 0 : i32
    %reduce_sum3A_21 = arith.constant dense<0.000000e+00> : vector<2560xf32>
    %reduce_sum3A_22 = vector.multi_reduction <add>, %add3A_12, %reduce_sum3A_21 [1] : vector<2560x128xf32> to vector<2560xf32>
    %broadcast_in_dim3A_23 = vector.shape_cast %reduce_sum3A_22 : vector<2560xf32> to vector<2560x1xf32>
    %div3A_24 = arith.constant 1.280000e+02 : f32
    %div3A_25 = vector.broadcast %div3A_24 : f32 to vector<2560x1xf32>
    %div3A_26 = arith.divf %broadcast_in_dim3A_23, %div3A_25 : vector<2560x1xf32>
    %sub3A = vector.broadcast %div3A_26 : vector<2560x1xf32> to vector<2560x128xf32>
    %sub3A_27 = arith.subf %add3A_12, %sub3A : vector<2560x128xf32>
    %square3A = arith.mulf %sub3A_27, %sub3A_27 : vector<2560x128xf32>
    %convert_element_type3A = arith.sitofp %jit3A : i32 to f32
    %sub3A_28 = arith.constant 1.280000e+02 : f32
    %sub3A_29 = arith.subf %sub3A_28, %convert_element_type3A : f32
    %reduce_sum3A_30 = arith.constant dense<0.000000e+00> : vector<2560xf32>
    %reduce_sum3A_31 = vector.multi_reduction <add>, %square3A, %reduce_sum3A_30 [1] : vector<2560x128xf32> to vector<2560xf32>
    %broadcast_in_dim3A_32 = vector.shape_cast %reduce_sum3A_31 : vector<2560xf32> to vector<2560x1xf32>
    %div3A_33 = vector.broadcast %sub3A_29 : f32 to vector<2560x1xf32>
    %div3A_34 = arith.divf %broadcast_in_dim3A_32, %div3A_33 : vector<2560x1xf32>
    %gt3A = arith.constant 0.000000e+00 : f32
    %gt3A_35 = arith.cmpf ogt, %sub3A_29, %gt3A : f32
    %jit3A_36 = arith.constant 0x7FC00000 : f32
    %broadcast_in_dim3A_37 = vector.broadcast %jit3A_36 : f32 to vector<2560x1xf32>
    %select_n3A = arith.select %gt3A_35, %div3A_34, %broadcast_in_dim3A_37 : vector<2560x1xf32>
    %sub3A_38 = vector.broadcast %div3A_20 : vector<2560x1xf32> to vector<2560x128xf32>
    %sub3A_39 = arith.subf %add3A_12, %sub3A_38 : vector<2560x128xf32>
    %add3A_40 = arith.constant 9.99999974E-6 : f32
    %add3A_41 = vector.broadcast %add3A_40 : f32 to vector<2560x1xf32>
    %add3A_42 = arith.addf %select_n3A, %add3A_41 : vector<2560x1xf32>
    %sqrt3A = math.sqrt %add3A_42 : vector<2560x1xf32>
    %div3A_43 = vector.broadcast %sqrt3A : vector<2560x1xf32> to vector<2560x128xf32>
    %div3A_44 = arith.divf %sub3A_39, %div3A_43 : vector<2560x128xf32>
    %broadcast_in_dim3A_45 = vector.shape_cast %get3A_14 : vector<128xf32> to vector<1x128xf32>
    %mul3A = vector.broadcast %broadcast_in_dim3A_45 : vector<1x128xf32> to vector<2560x128xf32>
    %mul3A_46 = arith.mulf %div3A_44, %mul3A : vector<2560x128xf32>
    %broadcast_in_dim3A_47 = vector.shape_cast %get3A_16 : vector<128xf32> to vector<1x128xf32>
    %add3A_48 = vector.broadcast %broadcast_in_dim3A_47 : vector<1x128xf32> to vector<2560x128xf32>
    %add3A_49 = arith.addf %mul3A_46, %add3A_48 : vector<2560x128xf32>
    %get3A_50 = arith.constant 0 : index
    %get3A_51 = arith.constant 0 : index
    %get3A_52 = vector.load %arg7[%get3A_50, %get3A_51] : memref<128x256xf32, #tpu.memory_space<vmem>>, vector<128x256xf32>
    %dot_general3A_53 = arith.constant dense<0.000000e+00> : vector<2560x256xf32>
    %dot_general3A_54 = tpu.matmul %add3A_49, %get3A_52, %dot_general3A_53 {dimension_numbers = #tpu.dot_dimension_numbers<[1], [0], [0], [1], [0, 0, 1, 1], [], []>, transpose_lhs_hint = false} : vector<2560x128xf32>, vector<128x256xf32>, vector<2560x256xf32> -> vector<2560x256xf32>
    %get3A_55 = arith.constant 0 : index
    %get3A_56 = vector.load %arg8[%get3A_55] : memref<256xf32, #tpu.memory_space<vmem>>, vector<256xf32>
    %broadcast_in_dim3A_57 = vector.shape_cast %get3A_56 : vector<256xf32> to vector<1x256xf32>
    %add3A_58 = vector.broadcast %broadcast_in_dim3A_57 : vector<1x256xf32> to vector<2560x256xf32>
    %add3A_59 = arith.addf %dot_general3A_54, %add3A_58 : vector<2560x256xf32>
    %max3A = arith.constant 0.000000e+00 : f32
    %max3A_60 = vector.broadcast %max3A : f32 to vector<2560x256xf32>
    %max3A_61 = arith.maximumf %add3A_59, %max3A_60 : vector<2560x256xf32>
    %get3A_62 = arith.constant 0 : index
    %get3A_63 = arith.constant 0 : index
    %get3A_64 = vector.load %arg9[%get3A_62, %get3A_63] : memref<256x128xf32, #tpu.memory_space<vmem>>, vector<256x128xf32>
    %dot_general3A_65 = arith.constant dense<0.000000e+00> : vector<2560x128xf32>
    %dot_general3A_66 = tpu.matmul %max3A_61, %get3A_64, %dot_general3A_65 {dimension_numbers = #tpu.dot_dimension_numbers<[1], [0], [0], [1], [0, 0, 1, 1], [], []>, transpose_lhs_hint = false} : vector<2560x256xf32>, vector<256x128xf32>, vector<2560x128xf32> -> vector<2560x128xf32>
    %get3A_67 = arith.constant 0 : index
    %get3A_68 = vector.load %arg10[%get3A_67] : memref<128xf32, #tpu.memory_space<vmem>>, vector<128xf32>
    %broadcast_in_dim3A_69 = vector.shape_cast %get3A_68 : vector<128xf32> to vector<1x128xf32>
    %add3A_70 = vector.broadcast %broadcast_in_dim3A_69 : vector<1x128xf32> to vector<2560x128xf32>
    %add3A_71 = arith.addf %dot_general3A_66, %add3A_70 : vector<2560x128xf32>
    %add3A_72 = arith.addf %add3A_49, %add3A_71 : vector<2560x128xf32>
    %get3A_73 = arith.constant 0 : index
    %get3A_74 = vector.load %arg11[%get3A_73] : memref<128xf32, #tpu.memory_space<vmem>>, vector<128xf32>
    %get3A_75 = arith.constant 0 : index
    %get3A_76 = vector.load %arg12[%get3A_75] : memref<128xf32, #tpu.memory_space<vmem>>, vector<128xf32>
    %reduce_sum3A_77 = arith.constant dense<0.000000e+00> : vector<2560xf32>
    %reduce_sum3A_78 = vector.multi_reduction <add>, %add3A_72, %reduce_sum3A_77 [1] : vector<2560x128xf32> to vector<2560xf32>
    %broadcast_in_dim3A_79 = vector.shape_cast %reduce_sum3A_78 : vector<2560xf32> to vector<2560x1xf32>
    %div3A_80 = arith.constant 1.280000e+02 : f32
    %div3A_81 = vector.broadcast %div3A_80 : f32 to vector<2560x1xf32>
    %div3A_82 = arith.divf %broadcast_in_dim3A_79, %div3A_81 : vector<2560x1xf32>
    %jit3A_83 = arith.constant 0 : i32
    %reduce_sum3A_84 = arith.constant dense<0.000000e+00> : vector<2560xf32>
    %reduce_sum3A_85 = vector.multi_reduction <add>, %add3A_72, %reduce_sum3A_84 [1] : vector<2560x128xf32> to vector<2560xf32>
    %broadcast_in_dim3A_86 = vector.shape_cast %reduce_sum3A_85 : vector<2560xf32> to vector<2560x1xf32>
    %div3A_87 = arith.constant 1.280000e+02 : f32
    %div3A_88 = vector.broadcast %div3A_87 : f32 to vector<2560x1xf32>
    %div3A_89 = arith.divf %broadcast_in_dim3A_86, %div3A_88 : vector<2560x1xf32>
    %sub3A_90 = vector.broadcast %div3A_89 : vector<2560x1xf32> to vector<2560x128xf32>
    %sub3A_91 = arith.subf %add3A_72, %sub3A_90 : vector<2560x128xf32>
    %square3A_92 = arith.mulf %sub3A_91, %sub3A_91 : vector<2560x128xf32>
    %convert_element_type3A_93 = arith.sitofp %jit3A_83 : i32 to f32
    %sub3A_94 = arith.constant 1.280000e+02 : f32
    %sub3A_95 = arith.subf %sub3A_94, %convert_element_type3A_93 : f32
    %reduce_sum3A_96 = arith.constant dense<0.000000e+00> : vector<2560xf32>
    %reduce_sum3A_97 = vector.multi_reduction <add>, %square3A_92, %reduce_sum3A_96 [1] : vector<2560x128xf32> to vector<2560xf32>
    %broadcast_in_dim3A_98 = vector.shape_cast %reduce_sum3A_97 : vector<2560xf32> to vector<2560x1xf32>
    %div3A_99 = vector.broadcast %sub3A_95 : f32 to vector<2560x1xf32>
    %div3A_100 = arith.divf %broadcast_in_dim3A_98, %div3A_99 : vector<2560x1xf32>
    %gt3A_101 = arith.constant 0.000000e+00 : f32
    %gt3A_102 = arith.cmpf ogt, %sub3A_95, %gt3A_101 : f32
    %jit3A_103 = arith.constant 0x7FC00000 : f32
    %broadcast_in_dim3A_104 = vector.broadcast %jit3A_103 : f32 to vector<2560x1xf32>
    %select_n3A_105 = arith.select %gt3A_102, %div3A_100, %broadcast_in_dim3A_104 : vector<2560x1xf32>
    %sub3A_106 = vector.broadcast %div3A_82 : vector<2560x1xf32> to vector<2560x128xf32>
    %sub3A_107 = arith.subf %add3A_72, %sub3A_106 : vector<2560x128xf32>
    %add3A_108 = arith.constant 9.99999974E-6 : f32
    %add3A_109 = vector.broadcast %add3A_108 : f32 to vector<2560x1xf32>
    %add3A_110 = arith.addf %select_n3A_105, %add3A_109 : vector<2560x1xf32>
    %sqrt3A_111 = math.sqrt %add3A_110 : vector<2560x1xf32>
    %div3A_112 = vector.broadcast %sqrt3A_111 : vector<2560x1xf32> to vector<2560x128xf32>
    %div3A_113 = arith.divf %sub3A_107, %div3A_112 : vector<2560x128xf32>
    %broadcast_in_dim3A_114 = vector.shape_cast %get3A_74 : vector<128xf32> to vector<1x128xf32>
    %mul3A_115 = vector.broadcast %broadcast_in_dim3A_114 : vector<1x128xf32> to vector<2560x128xf32>
    %mul3A_116 = arith.mulf %div3A_113, %mul3A_115 : vector<2560x128xf32>
    %broadcast_in_dim3A_117 = vector.shape_cast %get3A_76 : vector<128xf32> to vector<1x128xf32>
    %add3A_118 = vector.broadcast %broadcast_in_dim3A_117 : vector<1x128xf32> to vector<2560x128xf32>
    %add3A_119 = arith.addf %mul3A_116, %add3A_118 : vector<2560x128xf32>
    %swap3A = arith.constant 0 : index
    %swap3A_120 = arith.constant 0 : index
    %swap3A_121 = vector.load %arg13[%swap3A, %swap3A_120] : memref<2560x128xf32, #tpu.memory_space<vmem>>, vector<2560x128xf32>
    tpu.vector_store %arg13[%swap3A, %swap3A_120], %add3A_119 {strides = array<i32>} : memref<2560x128xf32, #tpu.memory_space<vmem>>, vector<2560x128xf32>,
    return
  }
  func.func @transform_0(%arg0: i32) -> (i32, i32) {
    %c0_i32 = arith.constant 0 : i32
    %c0_i32_0 = arith.constant 0 : i32
    return %arg0, %c0_i32 : i32, i32
  }
  func.func @transform_1(%arg0: i32) -> (i32, i32) {
    %c0_i32 = arith.constant 0 : i32
    %c0_i32_0 = arith.constant 0 : i32
    return %arg0, %c0_i32 : i32, i32
  }
  func.func @transform_2(%arg0: i32) -> (i32, i32) {
    %c0_i32 = arith.constant 0 : i32
    %c0_i32_0 = arith.constant 0 : i32
    %c0_i32_1 = arith.constant 0 : i32
    return %c0_i32, %c0_i32_0 : i32, i32
  }
  func.func @transform_3(%arg0: i32) -> i32 {
    %c0_i32 = arith.constant 0 : i32
    %c0_i32_0 = arith.constant 0 : i32
    return %c0_i32 : i32
  }
  func.func @transform_4(%arg0: i32) -> i32 {
    %c0_i32 = arith.constant 0 : i32
    %c0_i32_0 = arith.constant 0 : i32
    return %c0_i32 : i32
  }
  func.func @transform_5(%arg0: i32) -> i32 {
    %c0_i32 = arith.constant 0 : i32
    %c0_i32_0 = arith.constant 0 : i32
    return %c0_i32 : i32
  }
  func.func @transform_6(%arg0: i32) -> (i32, i32) {
    %c0_i32 = arith.constant 0 : i32
    %c0_i32_0 = arith.constant 0 : i32
    %c0_i32_1 = arith.constant 0 : i32
    return %c0_i32, %c0_i32_0 : i32, i32
  }
  func.func @transform_7(%arg0: i32) -> i32 {
    %c0_i32 = arith.constant 0 : i32
    %c0_i32_0 = arith.constant 0 : i32
    return %c0_i32 : i32
  }
  func.func @transform_8(%arg0: i32) -> (i32, i32) {
    %c0_i32 = arith.constant 0 : i32
    %c0_i32_0 = arith.constant 0 : i32
    %c0_i32_1 = arith.constant 0 : i32
    return %c0_i32, %c0_i32_0 : i32, i32
  }
  func.func @transform_9(%arg0: i32) -> i32 {
    %c0_i32 = arith.constant 0 : i32
    %c0_i32_0 = arith.constant 0 : i32
    return %c0_i32 : i32
  }
  func.func @transform_10(%arg0: i32) -> i32 {
    %c0_i32 = arith.constant 0 : i32
    %c0_i32_0 = arith.constant 0 : i32
    return %c0_i32 : i32
  }
  func.func @transform_11(%arg0: i32) -> i32 {
    %c0_i32 = arith.constant 0 : i32
    %c0_i32_0 = arith.constant 0 : i32
    return %c0_i32 : i32
  }
  func.func @transform_12(%arg0: i32) -> (i32, i32) {
    %c0_i32 = arith.constant 0 : i32
    %c0_i32_0 = arith.constant 0 : i32
    return %arg0, %c0_i32 : i32, i32
  }
}

module attributes {stable_mosaic.version = 14 : i64} {
  func.func @_node_body(%arg0: i32, %arg1: memref<2048x128xf32, #tpu.memory_space<vmem>>, %arg2: memref<2x2048x128xf32, #tpu.memory_space<vmem>>, %arg3: memref<2x2048x16xf32, #tpu.memory_space<vmem>>, %arg4: memref<128x128xf32, #tpu.memory_space<vmem>>, %arg5: memref<128xf32, #tpu.memory_space<vmem>>, %arg6: memref<128xf32, #tpu.memory_space<vmem>>, %arg7: memref<128xf32, #tpu.memory_space<vmem>>, %arg8: memref<128x256xf32, #tpu.memory_space<vmem>>, %arg9: memref<256xf32, #tpu.memory_space<vmem>>, %arg10: memref<256x128xf32, #tpu.memory_space<vmem>>, %arg11: memref<128xf32, #tpu.memory_space<vmem>>, %arg12: memref<128xf32, #tpu.memory_space<vmem>>, %arg13: memref<128xf32, #tpu.memory_space<vmem>>, %arg14: memref<2048x128xf32, #tpu.memory_space<vmem>>) attributes {dimension_semantics = [#tpu.dimension_semantics<arbitrary>], iteration_bounds = array<i64: 5>, scalar_prefetch = 0 : i64, scratch_operands = 0 : i64, tpu.core_type = #tpu.core_type<tc>, window_params = [{transform_indices = @transform_0, window_bounds = array<i64: 2048, 128>}, {transform_indices = @transform_1, window_bounds = array<i64: 2, 2048, 128>}, {transform_indices = @transform_2, window_bounds = array<i64: 2, 2048, 16>}, {pipeline_mode = #tpu.pipeline_mode<synchronous>, transform_indices = @transform_3, window_bounds = array<i64: 128, 128>}, {pipeline_mode = #tpu.pipeline_mode<synchronous>, transform_indices = @transform_4, window_bounds = array<i64: 128>}, {pipeline_mode = #tpu.pipeline_mode<synchronous>, transform_indices = @transform_5, window_bounds = array<i64: 128>}, {pipeline_mode = #tpu.pipeline_mode<synchronous>, transform_indices = @transform_6, window_bounds = array<i64: 128>}, {pipeline_mode = #tpu.pipeline_mode<synchronous>, transform_indices = @transform_7, window_bounds = array<i64: 128, 256>}, {pipeline_mode = #tpu.pipeline_mode<synchronous>, transform_indices = @transform_8, window_bounds = array<i64: 256>}, {pipeline_mode = #tpu.pipeline_mode<synchronous>, transform_indices = @transform_9, window_bounds = array<i64: 256, 128>}, {pipeline_mode = #tpu.pipeline_mode<synchronous>, transform_indices = @transform_10, window_bounds = array<i64: 128>}, {pipeline_mode = #tpu.pipeline_mode<synchronous>, transform_indices = @transform_11, window_bounds = array<i64: 128>}, {pipeline_mode = #tpu.pipeline_mode<synchronous>, transform_indices = @transform_12, window_bounds = array<i64: 128>}, {transform_indices = @transform_13, window_bounds = array<i64: 2048, 128>}]} {
    %get3A = arith.constant 0 : index
    %get3A_0 = arith.constant 0 : index
    %get3A_1 = vector.load %arg1[%get3A, %get3A_0] : memref<2048x128xf32, #tpu.memory_space<vmem>>, vector<2048x128xf32>
    %get3A_2 = arith.constant 0 : index
    %get3A_3 = arith.constant 0 : index
    %get3A_4 = arith.constant 0 : index
    %get3A_5 = vector.load %arg2[%get3A_2, %get3A_3, %get3A_4] : memref<2x2048x128xf32, #tpu.memory_space<vmem>>, vector<1x2048x128xf32>
    %get3A_6 = vector.shape_cast %get3A_5 : vector<1x2048x128xf32> to vector<2048x128xf32>
    %get3A_7 = arith.constant 1 : index
    %get3A_8 = arith.constant 0 : index
    %get3A_9 = arith.constant 0 : index
    %get3A_10 = vector.load %arg2[%get3A_7, %get3A_8, %get3A_9] : memref<2x2048x128xf32, #tpu.memory_space<vmem>>, vector<1x2048x128xf32>
    %get3A_11 = vector.shape_cast %get3A_10 : vector<1x2048x128xf32> to vector<2048x128xf32>
    %add3A = arith.addf %get3A_6, %get3A_11 : vector<2048x128xf32>
    %get3A_12 = arith.constant 0 : index
    %get3A_13 = arith.constant 0 : index
    %get3A_14 = arith.constant 0 : index
    %get3A_15 = vector.load %arg3[%get3A_12, %get3A_13, %get3A_14] : memref<2x2048x16xf32, #tpu.memory_space<vmem>>, vector<1x2048x16xf32>
    %get3A_16 = vector.shape_cast %get3A_15 : vector<1x2048x16xf32> to vector<2048x16xf32>
    %get3A_17 = arith.constant 1 : index
    %get3A_18 = arith.constant 0 : index
    %get3A_19 = arith.constant 0 : index
    %get3A_20 = vector.load %arg3[%get3A_17, %get3A_18, %get3A_19] : memref<2x2048x16xf32, #tpu.memory_space<vmem>>, vector<1x2048x16xf32>
    %get3A_21 = vector.shape_cast %get3A_20 : vector<1x2048x16xf32> to vector<2048x16xf32>
    %add3A_22 = arith.addf %get3A_16, %get3A_21 : vector<2048x16xf32>
    %concatenate3A = tpu.concatenate %add3A_22, %add3A_22, %add3A_22, %add3A_22, %add3A_22, %add3A_22, %add3A_22, %add3A_22 in 1 : vector<2048x16xf32>, vector<2048x16xf32>, vector<2048x16xf32>, vector<2048x16xf32>, vector<2048x16xf32>, vector<2048x16xf32>, vector<2048x16xf32>, vector<2048x16xf32> -> vector<2048x128xf32>
    %add3A_23 = arith.constant 9.99999997E-7 : f32
    %add3A_24 = vector.broadcast %add3A_23 : f32 to vector<2048x128xf32>
    %add3A_25 = arith.addf %concatenate3A, %add3A_24 : vector<2048x128xf32>
    %div3A = arith.divf %add3A, %add3A_25 : vector<2048x128xf32>
    %get3A_26 = arith.constant 0 : index
    %get3A_27 = arith.constant 0 : index
    %get3A_28 = vector.load %arg4[%get3A_26, %get3A_27] : memref<128x128xf32, #tpu.memory_space<vmem>>, vector<128x128xf32>
    %dot_general3A = arith.constant dense<0.000000e+00> : vector<2048x128xf32>
    %dot_general3A_29 = tpu.matmul %div3A, %get3A_28, %dot_general3A {dimension_numbers = #tpu.dot_dimension_numbers<[1], [0], [0], [1], [0, 0, 1, 1], [], []>, transpose_lhs_hint = false} : vector<2048x128xf32>, vector<128x128xf32>, vector<2048x128xf32> -> vector<2048x128xf32>
    %get3A_30 = arith.constant 0 : index
    %get3A_31 = vector.load %arg5[%get3A_30] : memref<128xf32, #tpu.memory_space<vmem>>, vector<128xf32>
    %broadcast_in_dim3A = vector.shape_cast %get3A_31 : vector<128xf32> to vector<1x128xf32>
    %add3A_32 = vector.broadcast %broadcast_in_dim3A : vector<1x128xf32> to vector<2048x128xf32>
    %add3A_33 = arith.addf %dot_general3A_29, %add3A_32 : vector<2048x128xf32>
    %add3A_34 = arith.addf %get3A_1, %add3A_33 : vector<2048x128xf32>
    %get3A_35 = arith.constant 0 : index
    %get3A_36 = vector.load %arg6[%get3A_35] : memref<128xf32, #tpu.memory_space<vmem>>, vector<128xf32>
    %get3A_37 = arith.constant 0 : index
    %get3A_38 = vector.load %arg7[%get3A_37] : memref<128xf32, #tpu.memory_space<vmem>>, vector<128xf32>
    %reduce_sum3A = arith.constant dense<0.000000e+00> : vector<2048xf32>
    %reduce_sum3A_39 = vector.multi_reduction <add>, %add3A_34, %reduce_sum3A [1] : vector<2048x128xf32> to vector<2048xf32>
    %broadcast_in_dim3A_40 = vector.shape_cast %reduce_sum3A_39 : vector<2048xf32> to vector<2048x1xf32>
    %div3A_41 = arith.constant 1.280000e+02 : f32
    %div3A_42 = vector.broadcast %div3A_41 : f32 to vector<2048x1xf32>
    %div3A_43 = arith.divf %broadcast_in_dim3A_40, %div3A_42 : vector<2048x1xf32>
    %jit3A = arith.constant 0 : i32
    %reduce_sum3A_44 = arith.constant dense<0.000000e+00> : vector<2048xf32>
    %reduce_sum3A_45 = vector.multi_reduction <add>, %add3A_34, %reduce_sum3A_44 [1] : vector<2048x128xf32> to vector<2048xf32>
    %broadcast_in_dim3A_46 = vector.shape_cast %reduce_sum3A_45 : vector<2048xf32> to vector<2048x1xf32>
    %div3A_47 = arith.constant 1.280000e+02 : f32
    %div3A_48 = vector.broadcast %div3A_47 : f32 to vector<2048x1xf32>
    %div3A_49 = arith.divf %broadcast_in_dim3A_46, %div3A_48 : vector<2048x1xf32>
    %sub3A = vector.broadcast %div3A_49 : vector<2048x1xf32> to vector<2048x128xf32>
    %sub3A_50 = arith.subf %add3A_34, %sub3A : vector<2048x128xf32>
    %square3A = arith.mulf %sub3A_50, %sub3A_50 : vector<2048x128xf32>
    %convert_element_type3A = arith.sitofp %jit3A : i32 to f32
    %sub3A_51 = arith.constant 1.280000e+02 : f32
    %sub3A_52 = arith.subf %sub3A_51, %convert_element_type3A : f32
    %reduce_sum3A_53 = arith.constant dense<0.000000e+00> : vector<2048xf32>
    %reduce_sum3A_54 = vector.multi_reduction <add>, %square3A, %reduce_sum3A_53 [1] : vector<2048x128xf32> to vector<2048xf32>
    %broadcast_in_dim3A_55 = vector.shape_cast %reduce_sum3A_54 : vector<2048xf32> to vector<2048x1xf32>
    %div3A_56 = vector.broadcast %sub3A_52 : f32 to vector<2048x1xf32>
    %div3A_57 = arith.divf %broadcast_in_dim3A_55, %div3A_56 : vector<2048x1xf32>
    %gt3A = arith.constant 0.000000e+00 : f32
    %gt3A_58 = arith.cmpf ogt, %sub3A_52, %gt3A : f32
    %jit3A_59 = arith.constant 0x7FC00000 : f32
    %broadcast_in_dim3A_60 = vector.broadcast %jit3A_59 : f32 to vector<2048x1xf32>
    %select_n3A = arith.select %gt3A_58, %div3A_57, %broadcast_in_dim3A_60 : vector<2048x1xf32>
    %sub3A_61 = vector.broadcast %div3A_43 : vector<2048x1xf32> to vector<2048x128xf32>
    %sub3A_62 = arith.subf %add3A_34, %sub3A_61 : vector<2048x128xf32>
    %add3A_63 = arith.constant 9.99999974E-6 : f32
    %add3A_64 = vector.broadcast %add3A_63 : f32 to vector<2048x1xf32>
    %add3A_65 = arith.addf %select_n3A, %add3A_64 : vector<2048x1xf32>
    %sqrt3A = math.sqrt %add3A_65 : vector<2048x1xf32>
    %div3A_66 = vector.broadcast %sqrt3A : vector<2048x1xf32> to vector<2048x128xf32>
    %div3A_67 = arith.divf %sub3A_62, %div3A_66 : vector<2048x128xf32>
    %broadcast_in_dim3A_68 = vector.shape_cast %get3A_36 : vector<128xf32> to vector<1x128xf32>
    %mul3A = vector.broadcast %broadcast_in_dim3A_68 : vector<1x128xf32> to vector<2048x128xf32>
    %mul3A_69 = arith.mulf %div3A_67, %mul3A : vector<2048x128xf32>
    %broadcast_in_dim3A_70 = vector.shape_cast %get3A_38 : vector<128xf32> to vector<1x128xf32>
    %add3A_71 = vector.broadcast %broadcast_in_dim3A_70 : vector<1x128xf32> to vector<2048x128xf32>
    %add3A_72 = arith.addf %mul3A_69, %add3A_71 : vector<2048x128xf32>
    %get3A_73 = arith.constant 0 : index
    %get3A_74 = arith.constant 0 : index
    %get3A_75 = vector.load %arg8[%get3A_73, %get3A_74] : memref<128x256xf32, #tpu.memory_space<vmem>>, vector<128x256xf32>
    %dot_general3A_76 = arith.constant dense<0.000000e+00> : vector<2048x256xf32>
    %dot_general3A_77 = tpu.matmul %add3A_72, %get3A_75, %dot_general3A_76 {dimension_numbers = #tpu.dot_dimension_numbers<[1], [0], [0], [1], [0, 0, 1, 1], [], []>, transpose_lhs_hint = false} : vector<2048x128xf32>, vector<128x256xf32>, vector<2048x256xf32> -> vector<2048x256xf32>
    %get3A_78 = arith.constant 0 : index
    %get3A_79 = vector.load %arg9[%get3A_78] : memref<256xf32, #tpu.memory_space<vmem>>, vector<256xf32>
    %broadcast_in_dim3A_80 = vector.shape_cast %get3A_79 : vector<256xf32> to vector<1x256xf32>
    %add3A_81 = vector.broadcast %broadcast_in_dim3A_80 : vector<1x256xf32> to vector<2048x256xf32>
    %add3A_82 = arith.addf %dot_general3A_77, %add3A_81 : vector<2048x256xf32>
    %max3A = arith.constant 0.000000e+00 : f32
    %max3A_83 = vector.broadcast %max3A : f32 to vector<2048x256xf32>
    %max3A_84 = arith.maximumf %add3A_82, %max3A_83 : vector<2048x256xf32>
    %get3A_85 = arith.constant 0 : index
    %get3A_86 = arith.constant 0 : index
    %get3A_87 = vector.load %arg10[%get3A_85, %get3A_86] : memref<256x128xf32, #tpu.memory_space<vmem>>, vector<256x128xf32>
    %dot_general3A_88 = arith.constant dense<0.000000e+00> : vector<2048x128xf32>
    %dot_general3A_89 = tpu.matmul %max3A_84, %get3A_87, %dot_general3A_88 {dimension_numbers = #tpu.dot_dimension_numbers<[1], [0], [0], [1], [0, 0, 1, 1], [], []>, transpose_lhs_hint = false} : vector<2048x256xf32>, vector<256x128xf32>, vector<2048x128xf32> -> vector<2048x128xf32>
    %get3A_90 = arith.constant 0 : index
    %get3A_91 = vector.load %arg11[%get3A_90] : memref<128xf32, #tpu.memory_space<vmem>>, vector<128xf32>
    %broadcast_in_dim3A_92 = vector.shape_cast %get3A_91 : vector<128xf32> to vector<1x128xf32>
    %add3A_93 = vector.broadcast %broadcast_in_dim3A_92 : vector<1x128xf32> to vector<2048x128xf32>
    %add3A_94 = arith.addf %dot_general3A_89, %add3A_93 : vector<2048x128xf32>
    %add3A_95 = arith.addf %add3A_72, %add3A_94 : vector<2048x128xf32>
    %get3A_96 = arith.constant 0 : index
    %get3A_97 = vector.load %arg12[%get3A_96] : memref<128xf32, #tpu.memory_space<vmem>>, vector<128xf32>
    %get3A_98 = arith.constant 0 : index
    %get3A_99 = vector.load %arg13[%get3A_98] : memref<128xf32, #tpu.memory_space<vmem>>, vector<128xf32>
    %reduce_sum3A_100 = arith.constant dense<0.000000e+00> : vector<2048xf32>
    %reduce_sum3A_101 = vector.multi_reduction <add>, %add3A_95, %reduce_sum3A_100 [1] : vector<2048x128xf32> to vector<2048xf32>
    %broadcast_in_dim3A_102 = vector.shape_cast %reduce_sum3A_101 : vector<2048xf32> to vector<2048x1xf32>
    %div3A_103 = arith.constant 1.280000e+02 : f32
    %div3A_104 = vector.broadcast %div3A_103 : f32 to vector<2048x1xf32>
    %div3A_105 = arith.divf %broadcast_in_dim3A_102, %div3A_104 : vector<2048x1xf32>
    %jit3A_106 = arith.constant 0 : i32
    %reduce_sum3A_107 = arith.constant dense<0.000000e+00> : vector<2048xf32>
    %reduce_sum3A_108 = vector.multi_reduction <add>, %add3A_95, %reduce_sum3A_107 [1] : vector<2048x128xf32> to vector<2048xf32>
    %broadcast_in_dim3A_109 = vector.shape_cast %reduce_sum3A_108 : vector<2048xf32> to vector<2048x1xf32>
    %div3A_110 = arith.constant 1.280000e+02 : f32
    %div3A_111 = vector.broadcast %div3A_110 : f32 to vector<2048x1xf32>
    %div3A_112 = arith.divf %broadcast_in_dim3A_109, %div3A_111 : vector<2048x1xf32>
    %sub3A_113 = vector.broadcast %div3A_112 : vector<2048x1xf32> to vector<2048x128xf32>
    %sub3A_114 = arith.subf %add3A_95, %sub3A_113 : vector<2048x128xf32>
    %square3A_115 = arith.mulf %sub3A_114, %sub3A_114 : vector<2048x128xf32>
    %convert_element_type3A_116 = arith.sitofp %jit3A_106 : i32 to f32
    %sub3A_117 = arith.constant 1.280000e+02 : f32
    %sub3A_118 = arith.subf %sub3A_117, %convert_element_type3A_116 : f32
    %reduce_sum3A_119 = arith.constant dense<0.000000e+00> : vector<2048xf32>
    %reduce_sum3A_120 = vector.multi_reduction <add>, %square3A_115, %reduce_sum3A_119 [1] : vector<2048x128xf32> to vector<2048xf32>
    %broadcast_in_dim3A_121 = vector.shape_cast %reduce_sum3A_120 : vector<2048xf32> to vector<2048x1xf32>
    %div3A_122 = vector.broadcast %sub3A_118 : f32 to vector<2048x1xf32>
    %div3A_123 = arith.divf %broadcast_in_dim3A_121, %div3A_122 : vector<2048x1xf32>
    %gt3A_124 = arith.constant 0.000000e+00 : f32
    %gt3A_125 = arith.cmpf ogt, %sub3A_118, %gt3A_124 : f32
    %jit3A_126 = arith.constant 0x7FC00000 : f32
    %broadcast_in_dim3A_127 = vector.broadcast %jit3A_126 : f32 to vector<2048x1xf32>
    %select_n3A_128 = arith.select %gt3A_125, %div3A_123, %broadcast_in_dim3A_127 : vector<2048x1xf32>
    %sub3A_129 = vector.broadcast %div3A_105 : vector<2048x1xf32> to vector<2048x128xf32>
    %sub3A_130 = arith.subf %add3A_95, %sub3A_129 : vector<2048x128xf32>
    %add3A_131 = arith.constant 9.99999974E-6 : f32
    %add3A_132 = vector.broadcast %add3A_131 : f32 to vector<2048x1xf32>
    %add3A_133 = arith.addf %select_n3A_128, %add3A_132 : vector<2048x1xf32>
    %sqrt3A_134 = math.sqrt %add3A_133 : vector<2048x1xf32>
    %div3A_135 = vector.broadcast %sqrt3A_134 : vector<2048x1xf32> to vector<2048x128xf32>
    %div3A_136 = arith.divf %sub3A_130, %div3A_135 : vector<2048x128xf32>
    %broadcast_in_dim3A_137 = vector.shape_cast %get3A_97 : vector<128xf32> to vector<1x128xf32>
    %mul3A_138 = vector.broadcast %broadcast_in_dim3A_137 : vector<1x128xf32> to vector<2048x128xf32>
    %mul3A_139 = arith.mulf %div3A_136, %mul3A_138 : vector<2048x128xf32>
    %broadcast_in_dim3A_140 = vector.shape_cast %get3A_99 : vector<128xf32> to vector<1x128xf32>
    %add3A_141 = vector.broadcast %broadcast_in_dim3A_140 : vector<1x128xf32> to vector<2048x128xf32>
    %add3A_142 = arith.addf %mul3A_139, %add3A_141 : vector<2048x128xf32>
    %swap3A = arith.constant 0 : index
    %swap3A_143 = arith.constant 0 : index
    %swap3A_144 = vector.load %arg14[%swap3A, %swap3A_143] : memref<2048x128xf32, #tpu.memory_space<vmem>>, vector<2048x128xf32>
    tpu.vector_store %arg14[%swap3A, %swap3A_143], %add3A_142 {strides = array<i32>} : memref<2048x128xf32, #tpu.memory_space<vmem>>, vector<2048x128xf32>,
    return
  }
  func.func @transform_0(%arg0: i32) -> (i32, i32) {
    %c0_i32 = arith.constant 0 : i32
    %c0_i32_0 = arith.constant 0 : i32
    return %arg0, %c0_i32 : i32, i32
  }
  func.func @transform_1(%arg0: i32) -> (i32, i32, i32) {
    %c0_i32 = arith.constant 0 : i32
    %c0_i32_0 = arith.constant 0 : i32
    %c0_i32_1 = arith.constant 0 : i32
    return %c0_i32, %arg0, %c0_i32_0 : i32, i32, i32
  }
  func.func @transform_2(%arg0: i32) -> (i32, i32, i32) {
    %c0_i32 = arith.constant 0 : i32
    %c0_i32_0 = arith.constant 0 : i32
    %c0_i32_1 = arith.constant 0 : i32
    return %c0_i32, %arg0, %c0_i32_0 : i32, i32, i32
  }
  func.func @transform_3(%arg0: i32) -> (i32, i32) {
    %c0_i32 = arith.constant 0 : i32
    %c0_i32_0 = arith.constant 0 : i32
    %c0_i32_1 = arith.constant 0 : i32
    return %c0_i32, %c0_i32_0 : i32, i32
  }
  func.func @transform_4(%arg0: i32) -> i32 {
    %c0_i32 = arith.constant 0 : i32
    %c0_i32_0 = arith.constant 0 : i32
    return %c0_i32 : i32
  }
  func.func @transform_5(%arg0: i32) -> i32 {
    %c0_i32 = arith.constant 0 : i32
    %c0_i32_0 = arith.constant 0 : i32
    return %c0_i32 : i32
  }
  func.func @transform_6(%arg0: i32) -> i32 {
    %c0_i32 = arith.constant 0 : i32
    %c0_i32_0 = arith.constant 0 : i32
    return %c0_i32 : i32
  }
  func.func @transform_7(%arg0: i32) -> (i32, i32) {
    %c0_i32 = arith.constant 0 : i32
    %c0_i32_0 = arith.constant 0 : i32
    %c0_i32_1 = arith.constant 0 : i32
    return %c0_i32, %c0_i32_0 : i32, i32
  }
  func.func @transform_8(%arg0: i32) -> i32 {
    %c0_i32 = arith.constant 0 : i32
    %c0_i32_0 = arith.constant 0 : i32
    return %c0_i32 : i32
  }
  func.func @transform_9(%arg0: i32) -> (i32, i32) {
    %c0_i32 = arith.constant 0 : i32
    %c0_i32_0 = arith.constant 0 : i32
    %c0_i32_1 = arith.constant 0 : i32
    return %c0_i32, %c0_i32_0 : i32, i32
  }
  func.func @transform_10(%arg0: i32) -> i32 {
    %c0_i32 = arith.constant 0 : i32
    %c0_i32_0 = arith.constant 0 : i32
    return %c0_i32 : i32
  }
  func.func @transform_11(%arg0: i32) -> i32 {
    %c0_i32 = arith.constant 0 : i32
    %c0_i32_0 = arith.constant 0 : i32
    return %c0_i32 : i32
  }
  func.func @transform_12(%arg0: i32) -> i32 {
    %c0_i32 = arith.constant 0 : i32
    %c0_i32_0 = arith.constant 0 : i32
    return %c0_i32 : i32
  }
  func.func @transform_13(%arg0: i32) -> (i32, i32) {
    %c0_i32 = arith.constant 0 : i32
    %c0_i32_0 = arith.constant 0 : i32
    return %arg0, %c0_i32 : i32, i32
  }
}

</mosaic_0001>

<sc_bundles>
// kernel: kernel.11.cloned.1.call-start
scs
__scs_entry_jumppad:
0x0: {  	(pc) =	sbr.rel $0x88, $3  }
0x1: {  	(tag) =	ssettag $0x0;
	lr =	simm.s32 $0x1  }
0x2: {  	[smem:$0x3F86] =	sst lr;
	_ =	strace $0xD0000000  }
0x3: {  	_ = 	snop  }
0x4: {  	_ = 	snop  }
0x5: {  	_ = 	snop  }
0x6: {  	_ = 	snop  }
0x7: {  	_ = 	snop  }
__scs_overlays_trampoline_lowered:
0x8: {  	[smem:$0x3F95] =	sst s0  }
0x9: {  	[smem:$0x3F96] =	sst s1  }
0xa: {  	[smem:$0x3F97] =	sst s2  }
0xb: {  	[smem:$0x3F98] =	sst s3  }
0xc: {  	[smem:$0x3F99] =	sst s4  }
0xd: {  	[smem:$0x3F9A] =	sst s5  }
0xe: {  	[smem:$0x3F9B] =	sst s6  }
0xf: {  	[smem:$0x3F9C] =	sst s7  }
0x10: {  	[smem:$0x3F9D] =	sst s8  }
0x11: {  	[smem:$0x3F9E] =	sst s9;
	s0 =	simm.s32 @!p0 $0x0  }
0x12: {  	s1 =	sld [smem:$0x3F84];
	s0 =	simm.s32 @p0 $0x1  }
0x13: {  	[smem:$0x3F9F] =	sst s0;
	s0 =	simm.s32 @!p1 $0x0  }
0x14: {  	s2 =	sld [smem:$0x3F83];
	s0 =	simm.s32 @p1 $0x1  }
0x15: {  	[smem:$0x3FA0] =	sst s0;
	s0 =	simm.s32 @!p2 $0x0  }
0x16: {  	s3 =	sld [smem:$0x3FDB];
	s0 =	simm.s32 @p2 $0x1  }
0x17: {  	s4 =	simm.s32 $0x1BF5;
	[smem:$0x3FA2] =	sst s0  }
0x18: {  	s0 =	sld [smem:$0x3F85];
	_ =	swait.ge [sflag:s4], $0x0  }
0x19: {  	s7 =	sld [smem:$0x3F86]  }
0x1a: {  	s8 =	sadd.s32 $0xFFFFE003, lr  }
0x1b: {  	s9 =	sadd.s32 $0xFFFFFEF7, lr;
	s5 =	simm.s32 $0xFFFFFFFF;
	p2 =	slt.u32 s8, $0xFFFFF086  }
0x1c: {  	p1 =	slt.u32 s9, $0xF7A;
	s5 =	simm.s32 @!p2 $0x0  }
0x1d: {  	s5 =	simm.s32 @p1 $0x1;
	p0 =	seq.s32 s7, s2  }
0x1e: {  	s7 =	smul.u32 @!p0 $0xF7A, s2;
	p2 =	seq.s32 @!p0 s5, $0x0  }
0x1f: {  	s9 =	smul.u32 $0xF7A, s1;
	s8 =	simm.s32 @!p0 $0x1BF5;
	p2 =	por !p2, p0  }
0x20: {  	[sflag:s8] =	ssyncset.s32 @!p0 $0xFFFFF086;
	s6 =	sadd.s32 @!p0 s3, s7;
	s7 =	simm.s32 @!p0 $0x108  }
0x21: {  	s3 =	sadd.s32 s3, s9;
	s6 =	sadd.s32 @!p0 $0x88, s6;
	s7 =	simm.s32 @p2 $0x1082  }
0x22: {  	[simem:s7], [sflag:s8] =	dma.local @!p0 [hbm:s6], $0xF7A  }
0x23: {  	s9 =	sor.u32 $0xD0000000, s2;
	s6 =	simm.s32 $0x108;
	_ =	swait.ge @!p0 [sflag:s8], $0x0  }
0x24: {  	s3 =	sadd.s32 $0x88, s3;
	s6 =	simm.s32 @!p1 $0x1082;
	[sflag:s4] =	ssyncset.s32 $0xFFFFF086  }
0x25: {  	[simem:s6], [sflag:s4] =	dma.local [hbm:s3], $0xF7A  }
0x26: {  	[smem:$0x3F86] =	sst s1;
	(tag) =	ssettag s2;
	_ =	strace s9  }
0x27: {  	s1 =	sld [smem:$0x3F96]  }
0x28: {  	s2 =	sld [smem:$0x3F97]  }
0x29: {  	s4 =	sld [smem:$0x3F99]  }
0x2a: {  	p0 =	seq.s32 s5, $0x0;
	s5 =	sld [smem:$0x3F9A]  }
0x2b: {  	s6 =	sld [smem:$0x3F9B]  }
0x2c: {  	s7 =	sld [smem:$0x3F9C]  }
0x2d: {  	s3 =	simm.s32 $0x108;
	s8 =	sld [smem:$0x3F9D]  }
0x2e: {  	s3 =	simm.s32 @!p0 $0x1082;
	s9 =	sld [smem:$0x3F9E]  }
0x2f: {  	lr =	sadd.s32 s0, s3;
	s0 =	sld [smem:$0x3F95]  }
0x30: {  	s3 =	sld [smem:$0x3F98]  }
0x31: {  	[smem:$0x3FA1] =	sst s10  }
0x32: {  	s10 =	sld [smem:$0x3F9F];
	_ =	sdelay $0x3  }
0x33: {  	p0 =	seq.s32 s10, $0x1;
	s10 =	sld [smem:$0x3FA1];
	_ =	sdelay $0x3  }
0x34: {  	[smem:$0x3FA1] =	sst s10  }
0x35: {  	s10 =	sld [smem:$0x3FA0];
	_ =	sdelay $0x3  }
0x36: {  	p1 =	seq.s32 s10, $0x1;
	s10 =	sld [smem:$0x3FA1];
	_ =	sdelay $0x3  }
0x37: {  	[smem:$0x3FA1] =	sst s10  }
0x38: {  	s10 =	sld [smem:$0x3FA2]  }
0x39: {  	_ = 	snop;
	(pc) =	sbr.ind lr, $3  }
0x3a: {  	_ = 	snop  }
0x3b: {  	_ = 	snop  }
0x3c: {  	p2 =	seq.s32 s10, $0x1;
	s10 =	sld [smem:$0x3FA1]  }
0x3d: {  	_ =	shalt  }
0x3e: {  	_ =	shalt  }
0x3f: {  	_ =	shalt  }
0x40: {  	_ =	shalt  }
0x41: {  	_ =	shalt  }
0x42: {  	_ =	shalt  }
0x43: {  	_ =	shalt  }
0x44: {  	_ =	shalt  }
0x45: {  	_ =	shalt  }
0x46: {  	_ =	shalt  }
0x47: {  	_ =	shalt  }
0x48: {  	_ =	shalt  }
0x49: {  	_ =	shalt  }
0x4a: {  	_ =	shalt  }
0x4b: {  	_ =	shalt  }
0x4c: {  	_ =	shalt  }
0x4d: {  	_ =	shalt  }
0x4e: {  	_ =	shalt  }
0x4f: {  	_ =	shalt  }
0x50: {  	_ =	shalt  }
0x51: {  	_ =	shalt  }
0x52: {  	_ =	shalt  }
0x53: {  	_ =	shalt  }
0x54: {  	_ =	shalt  }
0x55: {  	_ =	shalt  }
0x56: {  	_ =	shalt  }
0x57: {  	_ =	shalt  }
0x58: {  	_ =	shalt  }
0x59: {  	_ =	shalt  }
0x5a: {  	_ =	shalt  }
0x5b: {  	_ =	shalt  }
0x5c: {  	_ =	shalt  }
0x5d: {  	_ =	shalt  }
0x5e: {  	_ =	shalt  }
0x5f: {  	_ =	shalt  }
0x60: {  	_ =	shalt  }
0x61: {  	_ =	shalt  }
0x62: {  	_ =	shalt  }
0x63: {  	_ =	shalt  }
0x64: {  	_ =	shalt  }
0x65: {  	_ =	shalt  }
0x66: {  	_ =	shalt  }
0x67: {  	_ =	shalt  }
0x68: {  	_ =	shalt  }
0x69: {  	_ =	shalt  }
0x6a: {  	_ =	shalt  }
0x6b: {  	_ =	shalt  }
0x6c: {  	_ =	shalt  }
0x6d: {  	_ =	shalt  }
0x6e: {  	_ =	shalt  }
0x6f: {  	_ =	shalt  }
0x70: {  	_ =	shalt  }
0x71: {  	_ =	shalt  }
0x72: {  	_ =	shalt  }
0x73: {  	_ =	shalt  }
0x74: {  	_ =	shalt  }
0x75: {  	_ =	shalt  }
0x76: {  	_ =	shalt  }
0x77: {  	_ =	shalt  }
0x78: {  	_ =	shalt  }
0x79: {  	_ =	shalt  }
0x7a: {  	_ =	shalt  }
0x7b: {  	_ =	shalt  }
0x7c: {  	_ =	shalt  }
0x7d: {  	_ =	shalt  }
0x7e: {  	_ =	shalt  }
0x7f: {  	_ =	shalt  }
0x80: {  	_ =	shalt  }
0x81: {  	_ =	shalt  }
0x82: {  	_ =	shalt  }
0x83: {  	_ =	shalt  }
0x84: {  	_ =	shalt  }
0x85: {  	_ =	shalt  }
0x86: {  	_ =	shalt  }
0x87: {  	_ =	shalt  }
.Lfunc_end0:
.L_simem_size_0:
called_computation.1_lowered:
.L_overlay_start_0:
0x88: {  	s2 =	sld [smem:$0x3FD9]  }
0x89: {  	s3 =	sld [smem:$0x3FFE];
	_ =	sdelay $0x1  }
0x8a: {  	s1 =	srdreg.scid  }
0x8b: {  	s0 =	sand.u32 $0x1, s1  }
0x8c: {  	s14 =	sshll.u32 s0, $0xA;
	s2 =	sadd.s32 s3, s2  }
0x8d: {  	s2 =	sadd.s32 s2, s14  }
0x8e: {  	[smem:$0x3FAD] =	sst s2  }
0x8f: {  	_ = 	snop  }
0x90: {  	s2 =	sld [smem:$0x3FD0];
	_ =	sdelay $0x2  }
0x91: {  	s15 =	simm.s32 $0xA;
	s4 =	simm.s32 $0x10  }
0x92: {  	[smem:s4], [sflag:s15] =	dma.local [hbm:s2], $0x1  }
0x93: {  	_ =	swait.eq [sflag:s15], $0x1  }
0x94: {  	[sflag:s15] =	ssyncset.done $0x0  }
0x95: {  	[sflag:s15] =	ssyncadd.s32 $0xFFFFFFFF  }
0x96: {  	s16 =	sld [smem:$0x10];
	(tm) =	ssettm $0x1  }
0x97: {  	s17 =	sld [smem:$0x3FFB];
	_ =	sdelay $0x3  }
0x98: {  	_ =	strace s17  }
0x99: {  	s3 =	sld [smem:$0x3FFC];
	_ =	sdelay $0x3  }
0x9a: {  	_ =	strace s3  }
0x9b: {  	s3 =	sld [smem:$0x3FFD];
	_ =	sdelay $0x3  }
0x9c: {  	_ =	strace s3  }
0x9d: {  	_ =	strace $0x8FFFFFFF  }
0x9e: {  	s18 =	sld [smem:$0x3FDB];
	_ =	sdelay $0x1  }
0x9f: {  	s19 =	simm.s32 $_scs_section_size  }
0xa0: {  	s5 =	simm.s32 $_size__tile_overlayer_lowered;
	s6 =	simm.s32 $_tile_overlayer_lowered  }
0xa1: {  	s22 =	simm.s32 $0x1BFF;
	s21 =	sshll.u32 s6, $0x1;
	s3 =	sadd.s32 s19, s18  }
0xa2: {  	s7 =	simm.s32 $0x0;
	s20 =	sshll.u32 s5, $0x1;
	s5 =	sadd.s32 s21, s3  }
0xa3: {  	[timem:s7], [sflag:s22] =	dma.local [hbm:s5], s20  }
0xa4: {  	_ =	swait.ge [sflag:s22], s20  }
0xa5: {  	s4 =	ssub.s32 $0x0, s20;
	[sflag:s22] =	ssyncset.done $0x0  }
0xa6: {  	[sflag:s22] =	ssyncadd.s32 s4;
	_ =	sdelay $0x1  }
0xa7: {  	s23 =	simm.s32 $0x1B8B  }
0xa8: {  	_ =	swait.ge [sflag:s23], $0x1  }
0xa9: {  	[sflag:s23] =	ssyncset.done $0x0  }
0xaa: {  	s25 =	simm.s32 $0x1B8E;
	s24 =	sld [smem:$0x3FFE];
	[sflag:s23] =	ssyncadd.s32 $0xFFFFFFFF  }
0xab: {  	s26 =	simm.s32 $execute0_lowered;
	[smem:$0x3FD2] =	sst s25  }
0xac: {  	s5 =	sshll.u32 s26, $0x1;
	_ =	strace $0x80000049;
	[dreg:$0x1] =	wrdreg $0xFFFFFFFF  }
0xad: {  	s28 =	simm.s32 $_size_execute0_lowered;
	s3 =	sadd.s32 s3, s5;
	[dreg:$0x0] =	wrdreg $0x0  }
0xae: {  	s5 =	sshll.u32 s28, $0x1;
	[dreg:$0x2] =	wrdreg s3  }
0xaf: {  	[dreg:$0x3] =	wrdreg s5  }
0xb0: {  	[dreg:$0x4] =	wrdreg $0xC0  }
0xb1: {  	_ =	task [dreg:s7], $0x5FFFF  }
0xb2: {  	[dreg:$0x1] =	wrdreg $0xFFFFFFFF  }
0xb3: {  	[dreg:$0x0] =	wrdreg $0x60  }
0xb4: {  	[dreg:$0x2] =	wrdreg s24  }
0xb5: {  	[dreg:$0x3] =	wrdreg s16  }
0xb6: {  	[dreg:$0x4] =	wrdreg $0x2D500  }
0xb7: {  	[dreg:$0x5] =	wrdreg $0x16D500  }
0xb8: {  	[dreg:$0x6] =	wrdreg $0x9  }
0xb9: {  	_ =	task.clear_ibuf [dreg:s7], $0x7FFFF;
	_ =	strace $0x90000049  }
0xba: {  	s29 =	simm.s32 $0x9;
	_ =	strace $0x8000004B  }
0xbb: {  	_ =	swait.ge [sflag:s29], $0x1  }
0xbc: {  	[sflag:s29] =	ssyncadd.s32 $0xFFFFFFFF  }
0xbd: {  	_ =	strace $0x9000004B  }
0xbe: {  	_ =	sfence  }
0xbf: {  	s30 =	sld [smem:$0x0];
	_ =	sdelay $0x2  }
0xc0: {  	s31 =	sshll.u32 s1, $0xD;
	s1 =	sshrl.u32 s1, $0x2  }
0xc1: {  	s3 =	sand.u32 $0x4000, s31;
	s1 =	sadd.s32 s1, s30  }
0xc2: {  	s0 =	sor.u32 s3, s0;
	s1 =	sshll.u32 s1, $0x11  }
0xc3: {  	s0 =	sor.u32 s1, s0  }
0xc4: {  	s0 =	sadd.s32 $0x8F2B, s0  }
0xc5: {  	[sflag:s0] =	ssyncadd.remote.s32 $0x1  }
0xc6: {  	_ =	sfence.sel $0xFFFF  }
0xc7: {  	[dreg:$0x0] =	wrdreg $0xFFFFFFFF;
	(pc) =	sbr.abs _section_cstart, $3  }
0xc8: {  	[dreg:$0x1] =	wrdreg $0xFFFFFFFF  }
0xc9: {  	_ =	task.clear_ibuf [dreg:s7], $0x2FFFF;
	_ =	strace $0x9FFFFFFF  }
0xca: {  	(tm) =	ssettm $0x7FFFFFFF  }
0xcb: {  	_ =	shalt  }
tec
execute0_lowered:
.L_overlay_start_1:
0x0: {  	(tag) =	ssettag $0x1  }
0x1: {  	s3 =	stileid.u32  }
0x2: {  	s11 =	smul.u32 $0x2710, s3  }
0x3: {  	s5 =	rddreg [dreg:$0x0];
	s12 =	smul.u32 $0x14000, s3  }
0x4: {  	s0 =	srdreg.scid;
	s31 =	smul.u32 $0x2800, s3  }
0x5: {  	s9 =	rddreg [dreg:$0x1];
	s6 =	sand.u32 $0x1, s0;
	s26 =	smul.u32 $0x4E20, s3  }
0x6: {  	s1 =	rddreg [dreg:$0x2];
	s7 =	smul.u32 $0x271000, s6  }
0x7: {  	s2 =	rddreg [dreg:$0x3];
	s8 =	smul.u32 $0x4E200, s6  }
0x8: {  	s4 =	simm.s32 $0x0;
	s0 =	rddreg [dreg:$0x4];
	s10 =	smul.u32 $0x27100, s6  }
0x9: {  	[smem:$0x7FF] =	sst s4;
	s24 =	sshll.u32 s3, $0x6;
	s14 =	smul.u32 $0x140000, s6  }
0xa: {  	_ =	strace $0x8000004A;
	s22 =	ssub.s32 $0x2, s6;
	s23 =	smul.u32 $0x28000, s6  }
0xb: {  	s6 =	sor.u32 $0x1C01, s24;
	s18 =	sshrl.u32 s12, $0x3;
	s20 =	sshrl.u32 s31, $0x3  }
0xc: {  	s17 =	sshrl.u32 s22, $0x1;
	s28 =	sadd.s32 s31, s2;
	s13 =	sadd.s32 s7, s5  }
0xd: {  	s30 =	sadd.s32 s11, s10;
	s15 =	sadd.s32 s8, s5;
	s19 =	sadd.s32 s18, s5  }
0xe: {  	s21 =	sadd.s32 s12, s14;
	s8 =	sadd.s32 s20, s5;
	s14 =	ssub.s32 s22, s17  }
0xf: {  	s18 =	sadd.s32 s12, s1;
	s25 =	sadd.s32 s31, s23;
	s17 =	simm.s32 $0x50  }
0x10: {  	s7 =	sshrl.u32 s30, $0x3;
	s11 =	sshrl.u32 s21, $0x3;
	s29 =	sshrl.u32 s25, $0x3  }
0x11: {  	s10 =	smax.u32 s14, $0x1;
	s30 =	sadd.s32 s26, s15;
	s14 =	sshrl.u32 s18, $0x3  }
0x12: {  	s15 =	simm.s32 $0x1;
	s18 =	simm.s32 $0x2850;
	s16 =	sadd.s32 s7, s5  }
0x13: {  	s11 =	sadd.s32 s11, s5;
	s5 =	sadd.s32 $0xB4600, s19;
	s19 =	smul.u32 $0x27100, s3  }
0x14: {  	s7 =	sadd.s32 $0x4600, s8;
	s9 =	sadd.s32 s9, s29;
	s8 =	sadd.s32 $0xDC600, s11  }
0x15: {  	s11 =	sadd.s32 $0x18200, s30;
	s31 =	sadd.s32 s19, s13;
	s13 =	sadd.s32 $0xE400, s16  }
0x16: {  	s16 =	sshrl.u32 s28, $0x3;
	s19 =	simm.s32 $0x0;
	s12 =	sadd.s32 $0xEE5400, s31  }
.LBB2_1:
0x17: {  	[spmem:s14], [sflag:s6] =	dma.local [hbm:s5], $0x2800  }
0x18: {  	_ =	swait.ge [sflag:s15], $0x2800  }
0x19: {  	[sflag:s15] =	ssyncset.done $0x0  }
0x1a: {  	[sflag:s15] =	ssyncadd.s32 $0xFFFFD800  }
0x1b: {  	[spmem:s16], [sflag:s6] =	dma.local [hbm:s7], $0x500  }
0x1c: {  	_ =	swait.ge [sflag:s15], $0x500  }
0x1d: {  	[sflag:s15] =	ssyncset.done $0x0  }
0x1e: {  	[sflag:s15] =	ssyncadd.s32 $0xFFFFFB00  }
0x1f: {  	s20 =	sadd.s32 $0x0, s13;
	[bflag:$0x0] =	sbarrier.arrive $0xFFFF  }
0x20: {  	[tilespmem:s4], [sflag:$0x1] =	stream.linear.gather [hbm4b:s20+s4], $0x50, $0x38;
	[tilespmem:$0x19550] =	vst v63  }
0x21: {  	_ =	swait.ge [sflag:s15], $0x50  }
0x22: {  	[sflag:s15] =	ssyncset.done $0x0  }
0x23: {  	[sflag:s15] =	ssyncadd.s32 $0xFFFFFFB0  }
0x24: {  	[tilespmem:s17], [sflag:$0x1] =	stream.linear.gather [hbm4b:s12+s4], $0x2800, $0x38;
	[tilespmem:$0x19550] =	vst v63  }
0x25: {  	_ =	swait.ge [sflag:s15], $0x2800  }
0x26: {  	[sflag:s15] =	ssyncset.done $0x0  }
0x27: {  	[sflag:s15] =	ssyncadd.s32 $0xFFFFD800  }
0x28: {  	[tilespmem:s18], [sflag:$0x1] =	stream.linear.gather [hbm4b:s11+s4], $0x500, $0x38;
	[tilespmem:$0x19550] =	vst v63  }
0x29: {  	_ =	swait.ge [sflag:s15], $0x500  }
0x2a: {  	[sflag:s15] =	ssyncset.done $0x0  }
0x2b: {  	[sflag:s15] =	ssyncadd.s32 $0xFFFFFB00  }
0x2c: {  	[spmem:s1] =	stream.indirect.scatter.add.f32 [tilespmem:s17], [sflag:$0x1], $0x80, s4, s17, $0xb8;
	[tilespmem:$0x19550] =	vst v63  }
0x2d: {  	_ =	swait.ge [sflag:s15], $0x2800  }
0x2e: {  	[sflag:s15] =	ssyncset.done $0x0  }
0x2f: {  	[sflag:s15] =	ssyncadd.s32 $0xFFFFD800  }
0x30: {  	[spmem:s2] =	stream.indirect.scatter.add.f32 [tilespmem:s18], [sflag:$0x1], $0x10, s4, s17, $0xb8;
	[tilespmem:$0x19550] =	vst v63  }
0x31: {  	s22 =	simm.s32 $0xA;
	s23 =	simm.s32 $0x14;
	_ =	swait.ge [sflag:s15], $0x500  }
0x32: {  	s21 =	sadd.s32 $0x500, s12;
	s20 =	sadd.s32 $0xA0, s11;
	[sflag:s15] =	ssyncset.done $0x0  }
.LBB2_2:
0x33: {  	s24 =	sadd.s32 s22, s13  }
0x34: {  	[sflag:s15] =	ssyncadd.s32 $0xFFFFFB00;
	s22 =	smov.u32 s23;
	s25 =	sadd.s32 $0xA, s23  }
0x35: {  	[tilespmem:s4], [sflag:$0x1] =	stream.linear.gather [hbm4b:s24+s4], $0x50, $0x38;
	[tilespmem:$0x19550] =	vst v63  }
0x36: {  	p0 =	sne.s32 s23, $0x4D8;
	_ =	swait.ge [sflag:s15], $0x50  }
0x37: {  	[sflag:s15] =	ssyncset.done $0x0  }
0x38: {  	[sflag:s15] =	ssyncadd.s32 $0xFFFFFFB0  }
0x39: {  	[tilespmem:s17], [sflag:$0x1] =	stream.linear.gather [hbm4b:s21+s4], $0x2800, $0x38;
	[tilespmem:$0x19550] =	vst v63  }
0x3a: {  	_ =	swait.ge [sflag:s15], $0x2800  }
0x3b: {  	[sflag:s15] =	ssyncset.done $0x0  }
0x3c: {  	[sflag:s15] =	ssyncadd.s32 $0xFFFFD800  }
0x3d: {  	[tilespmem:s18], [sflag:$0x1] =	stream.linear.gather [hbm4b:s20+s4], $0x500, $0x38;
	[tilespmem:$0x19550] =	vst v63  }
0x3e: {  	_ =	swait.ge [sflag:s15], $0x500  }
0x3f: {  	[sflag:s15] =	ssyncset.done $0x0  }
0x40: {  	[sflag:s15] =	ssyncadd.s32 $0xFFFFFB00  }
0x41: {  	[spmem:s1] =	stream.indirect.scatter.add.f32 [tilespmem:s17], [sflag:$0x1], $0x80, s4, s17, $0xb8;
	[tilespmem:$0x19550] =	vst v63  }
0x42: {  	_ =	swait.ge [sflag:s15], $0x2800  }
.Ltmp0:
0x43: {  	[sflag:s15] =	ssyncset.done $0x0;
	(pc) =	sbr.rel @p0 .LBB2_2-.Ltmp0, $4  }
0x44: {  	[sflag:s15] =	ssyncadd.s32 $0xFFFFD800  }
0x45: {  	[spmem:s2] =	stream.indirect.scatter.add.f32 [tilespmem:s18], [sflag:$0x1], $0x10, s4, s17, $0xb8;
	[tilespmem:$0x19550] =	vst v63  }
0x46: {  	s23 =	smov.u32 s25;
	_ =	swait.ge [sflag:s15], $0x500  }
0x47: {  	s21 =	sadd.s32 $0x500, s21;
	s20 =	sadd.s32 $0xA0, s20;
	[sflag:s15] =	ssyncset.done $0x0  }
0x48: {  	s22 =	sadd.s32 s22, s13;
	[sflag:s15] =	ssyncadd.s32 $0xFFFFFB00  }
0x49: {  	[tilespmem:s4], [sflag:$0x1] =	stream.linear.gather [hbm4b:s22+s4], $0x50, $0x38;
	[tilespmem:$0x19550] =	vst v63  }
0x4a: {  	_ =	swait.ge [sflag:s15], $0x50  }
0x4b: {  	[sflag:s15] =	ssyncset.done $0x0  }
0x4c: {  	[sflag:s15] =	ssyncadd.s32 $0xFFFFFFB0  }
0x4d: {  	[tilespmem:s17], [sflag:$0x1] =	stream.linear.gather [hbm4b:s21+s4], $0x2800, $0x38;
	[tilespmem:$0x19550] =	vst v63  }
0x4e: {  	_ =	swait.ge [sflag:s15], $0x2800  }
0x4f: {  	[sflag:s15] =	ssyncset.done $0x0  }
0x50: {  	[sflag:s15] =	ssyncadd.s32 $0xFFFFD800  }
0x51: {  	[tilespmem:s18], [sflag:$0x1] =	stream.linear.gather [hbm4b:s20+s4], $0x500, $0x38;
	[tilespmem:$0x19550] =	vst v63  }
0x52: {  	_ =	swait.ge [sflag:s15], $0x500  }
0x53: {  	[sflag:s15] =	ssyncset.done $0x0  }
0x54: {  	[sflag:s15] =	ssyncadd.s32 $0xFFFFFB00  }
0x55: {  	[spmem:s1] =	stream.indirect.scatter.add.f32 [tilespmem:s17], [sflag:$0x1], $0x80, s4, s17, $0xb8;
	[tilespmem:$0x19550] =	vst v63  }
0x56: {  	_ =	swait.ge [sflag:s15], $0x2800  }
0x57: {  	[sflag:s15] =	ssyncset.done $0x0  }
0x58: {  	[sflag:s15] =	ssyncadd.s32 $0xFFFFD800  }
0x59: {  	[spmem:s2] =	stream.indirect.scatter.add.f32 [tilespmem:s18], [sflag:$0x1], $0x10, s4, s17, $0xb8;
	[tilespmem:$0x19550] =	vst v63  }
0x5a: {  	_ =	swait.ge [sflag:s15], $0x500  }
0x5b: {  	[sflag:s15] =	ssyncset.done $0x0  }
0x5c: {  	[sflag:s15] =	ssyncadd.s32 $0xFFFFFB00  }
0x5d: {  	[bflag:$0x0] =	sbarrier.arrive $0xFFFF  }
0x5e: {  	[hbm:s8], [sflag:s6] =	dma.local [spmem:s14], $0x2800  }
0x5f: {  	s19 =	sadd.s32 $0x1, s19;
	_ =	swait.ge [sflag:s15], $0x2800  }
0x60: {  	p0 =	sne.s32 s19, s10;
	[sflag:s15] =	ssyncset.done $0x0  }
.Ltmp1:
0x61: {  	[sflag:s15] =	ssyncadd.s32 $0xFFFFD800;
	(pc) =	sbr.rel @p0 .LBB2_1-.Ltmp1, $4  }
0x62: {  	[hbm:s9], [sflag:s6] =	dma.local [spmem:s16], $0x500  }
0x63: {  	_ =	swait.ge [sflag:s15], $0x500  }
0x64: {  	[sflag:s15] =	ssyncset.done $0x0  }
0x65: {  	[sflag:s15] =	ssyncadd.s32 $0xFFFFFB00  }
0x66: {  	_ =	sfence.sel $0x180000  }
0x67: {  	[bflag:$0x0] =	sbarrier.arrive $0xFFFF  }
0x68: {  	p0 =	sne.s32 s3, $0x0;
	_ =	strace $0x9000004A  }
0x69: {  	s0 =	sadd.s32 @!p0 $0x100000, s0;
	[bflag:$0x2] =	sbarrier.arrive $0xFFFF  }
0x6a: {  	[sflag:s0] =	ssyncadd.tile.s32 @!p0 $0x1;
	_ =	shalt  }
.Lfunc_end2:
_tile_overlayer_lowered:
.L_overlay_start_2:
0x6b: {  	(tag) =	ssettag $0x2  }
0x6c: {  	s0 =	rddreg [dreg:$0x0];
	s2 =	stileid.u32  }
0x6d: {  	s1 =	rddreg [dreg:$0x1];
	p0 =	sne.s32 s2, $0x0  }
0x6e: {  	s3 =	rddreg [dreg:$0x2];
	[bflag:$0x3] =	sbarrier.arrive $0xFFFF;
	s2 =	simm.s32 @!p0 $0x1C01  }
0x6f: {  	[timem:s3], [sflag:s2] =	dma.local @!p0 [hbm:s0], s1  }
0x70: {  	s0 =	simm.s32 @!p0 $0x1  }
0x71: {  	_ =	swait.ge @!p0 [sflag:s0], s1  }
0x72: {  	s1 =	ssub.s32 @!p0 $0x0, s1;
	[sflag:s0] =	ssyncset.done @!p0 $0x0  }
0x73: {  	[sflag:s0] =	ssyncadd.s32 @!p0 s1  }
0x74: {  	[bflag:$0x3] =	sbarrier.arrive $0xFFFF  }
0x75: {  	_ =	shalt  }

// kernel: kernel.8.cloned.1.call-start
scs
__scs_entry_jumppad:
0x0: {  	(pc) =	sbr.rel $0x88, $3  }
0x1: {  	(tag) =	ssettag $0x0;
	lr =	simm.s32 $0x1  }
0x2: {  	[smem:$0x3F86] =	sst lr;
	_ =	strace $0xD0000000  }
0x3: {  	_ = 	snop  }
0x4: {  	_ = 	snop  }
0x5: {  	_ = 	snop  }
0x6: {  	_ = 	snop  }
0x7: {  	_ = 	snop  }
__scs_overlays_trampoline_lowered:
0x8: {  	[smem:$0x3F95] =	sst s0  }
0x9: {  	[smem:$0x3F96] =	sst s1  }
0xa: {  	[smem:$0x3F97] =	sst s2  }
0xb: {  	[smem:$0x3F98] =	sst s3  }
0xc: {  	[smem:$0x3F99] =	sst s4  }
0xd: {  	[smem:$0x3F9A] =	sst s5  }
0xe: {  	[smem:$0x3F9B] =	sst s6  }
0xf: {  	[smem:$0x3F9C] =	sst s7  }
0x10: {  	[smem:$0x3F9D] =	sst s8  }
0x11: {  	[smem:$0x3F9E] =	sst s9;
	s0 =	simm.s32 @!p0 $0x0  }
0x12: {  	s1 =	sld [smem:$0x3F84];
	s0 =	simm.s32 @p0 $0x1  }
0x13: {  	[smem:$0x3F9F] =	sst s0;
	s0 =	simm.s32 @!p1 $0x0  }
0x14: {  	s2 =	sld [smem:$0x3F83];
	s0 =	simm.s32 @p1 $0x1  }
0x15: {  	[smem:$0x3FA0] =	sst s0;
	s0 =	simm.s32 @!p2 $0x0  }
0x16: {  	s3 =	sld [smem:$0x3FDB];
	s0 =	simm.s32 @p2 $0x1  }
0x17: {  	s4 =	simm.s32 $0x1BF5;
	[smem:$0x3FA2] =	sst s0  }
0x18: {  	s0 =	sld [smem:$0x3F85];
	_ =	swait.ge [sflag:s4], $0x0  }
0x19: {  	s7 =	sld [smem:$0x3F86]  }
0x1a: {  	s8 =	sadd.s32 $0xFFFFE003, lr  }
0x1b: {  	s9 =	sadd.s32 $0xFFFFFEF7, lr;
	s5 =	simm.s32 $0xFFFFFFFF;
	p2 =	slt.u32 s8, $0xFFFFF086  }
0x1c: {  	p1 =	slt.u32 s9, $0xF7A;
	s5 =	simm.s32 @!p2 $0x0  }
0x1d: {  	s5 =	simm.s32 @p1 $0x1;
	p0 =	seq.s32 s7, s2  }
0x1e: {  	s7 =	smul.u32 @!p0 $0xF7A, s2;
	p2 =	seq.s32 @!p0 s5, $0x0  }
0x1f: {  	s9 =	smul.u32 $0xF7A, s1;
	s8 =	simm.s32 @!p0 $0x1BF5;
	p2 =	por !p2, p0  }
0x20: {  	[sflag:s8] =	ssyncset.s32 @!p0 $0xFFFFF086;
	s6 =	sadd.s32 @!p0 s3, s7;
	s7 =	simm.s32 @!p0 $0x108  }
0x21: {  	s3 =	sadd.s32 s3, s9;
	s6 =	sadd.s32 @!p0 $0x88, s6;
	s7 =	simm.s32 @p2 $0x1082  }
0x22: {  	[simem:s7], [sflag:s8] =	dma.local @!p0 [hbm:s6], $0xF7A  }
0x23: {  	s9 =	sor.u32 $0xD0000000, s2;
	s6 =	simm.s32 $0x108;
	_ =	swait.ge @!p0 [sflag:s8], $0x0  }
0x24: {  	s3 =	sadd.s32 $0x88, s3;
	s6 =	simm.s32 @!p1 $0x1082;
	[sflag:s4] =	ssyncset.s32 $0xFFFFF086  }
0x25: {  	[simem:s6], [sflag:s4] =	dma.local [hbm:s3], $0xF7A  }
0x26: {  	[smem:$0x3F86] =	sst s1;
	(tag) =	ssettag s2;
	_ =	strace s9  }
0x27: {  	s1 =	sld [smem:$0x3F96]  }
0x28: {  	s2 =	sld [smem:$0x3F97]  }
0x29: {  	s4 =	sld [smem:$0x3F99]  }
0x2a: {  	p0 =	seq.s32 s5, $0x0;
	s5 =	sld [smem:$0x3F9A]  }
0x2b: {  	s6 =	sld [smem:$0x3F9B]  }
0x2c: {  	s7 =	sld [smem:$0x3F9C]  }
0x2d: {  	s3 =	simm.s32 $0x108;
	s8 =	sld [smem:$0x3F9D]  }
0x2e: {  	s3 =	simm.s32 @!p0 $0x1082;
	s9 =	sld [smem:$0x3F9E]  }
0x2f: {  	lr =	sadd.s32 s0, s3;
	s0 =	sld [smem:$0x3F95]  }
0x30: {  	s3 =	sld [smem:$0x3F98]  }
0x31: {  	[smem:$0x3FA1] =	sst s10  }
0x32: {  	s10 =	sld [smem:$0x3F9F];
	_ =	sdelay $0x3  }
0x33: {  	p0 =	seq.s32 s10, $0x1;
	s10 =	sld [smem:$0x3FA1];
	_ =	sdelay $0x3  }
0x34: {  	[smem:$0x3FA1] =	sst s10  }
0x35: {  	s10 =	sld [smem:$0x3FA0];
	_ =	sdelay $0x3  }
0x36: {  	p1 =	seq.s32 s10, $0x1;
	s10 =	sld [smem:$0x3FA1];
	_ =	sdelay $0x3  }
0x37: {  	[smem:$0x3FA1] =	sst s10  }
0x38: {  	s10 =	sld [smem:$0x3FA2]  }
0x39: {  	_ = 	snop;
	(pc) =	sbr.ind lr, $3  }
0x3a: {  	_ = 	snop  }
0x3b: {  	_ = 	snop  }
0x3c: {  	p2 =	seq.s32 s10, $0x1;
	s10 =	sld [smem:$0x3FA1]  }
0x3d: {  	_ =	shalt  }
0x3e: {  	_ =	shalt  }
0x3f: {  	_ =	shalt  }
0x40: {  	_ =	shalt  }
0x41: {  	_ =	shalt  }
0x42: {  	_ =	shalt  }
0x43: {  	_ =	shalt  }
0x44: {  	_ =	shalt  }
0x45: {  	_ =	shalt  }
0x46: {  	_ =	shalt  }
0x47: {  	_ =	shalt  }
0x48: {  	_ =	shalt  }
0x49: {  	_ =	shalt  }
0x4a: {  	_ =	shalt  }
0x4b: {  	_ =	shalt  }
0x4c: {  	_ =	shalt  }
0x4d: {  	_ =	shalt  }
0x4e: {  	_ =	shalt  }
0x4f: {  	_ =	shalt  }
0x50: {  	_ =	shalt  }
0x51: {  	_ =	shalt  }
0x52: {  	_ =	shalt  }
0x53: {  	_ =	shalt  }
0x54: {  	_ =	shalt  }
0x55: {  	_ =	shalt  }
0x56: {  	_ =	shalt  }
0x57: {  	_ =	shalt  }
0x58: {  	_ =	shalt  }
0x59: {  	_ =	shalt  }
0x5a: {  	_ =	shalt  }
0x5b: {  	_ =	shalt  }
0x5c: {  	_ =	shalt  }
0x5d: {  	_ =	shalt  }
0x5e: {  	_ =	shalt  }
0x5f: {  	_ =	shalt  }
0x60: {  	_ =	shalt  }
0x61: {  	_ =	shalt  }
0x62: {  	_ =	shalt  }
0x63: {  	_ =	shalt  }
0x64: {  	_ =	shalt  }
0x65: {  	_ =	shalt  }
0x66: {  	_ =	shalt  }
0x67: {  	_ =	shalt  }
0x68: {  	_ =	shalt  }
0x69: {  	_ =	shalt  }
0x6a: {  	_ =	shalt  }
0x6b: {  	_ =	shalt  }
0x6c: {  	_ =	shalt  }
0x6d: {  	_ =	shalt  }
0x6e: {  	_ =	shalt  }
0x6f: {  	_ =	shalt  }
0x70: {  	_ =	shalt  }
0x71: {  	_ =	shalt  }
0x72: {  	_ =	shalt  }
0x73: {  	_ =	shalt  }
0x74: {  	_ =	shalt  }
0x75: {  	_ =	shalt  }
0x76: {  	_ =	shalt  }
0x77: {  	_ =	shalt  }
0x78: {  	_ =	shalt  }
0x79: {  	_ =	shalt  }
0x7a: {  	_ =	shalt  }
0x7b: {  	_ =	shalt  }
0x7c: {  	_ =	shalt  }
0x7d: {  	_ =	shalt  }
0x7e: {  	_ =	shalt  }
0x7f: {  	_ =	shalt  }
0x80: {  	_ =	shalt  }
0x81: {  	_ =	shalt  }
0x82: {  	_ =	shalt  }
0x83: {  	_ =	shalt  }
0x84: {  	_ =	shalt  }
0x85: {  	_ =	shalt  }
0x86: {  	_ =	shalt  }
0x87: {  	_ =	shalt  }
.Lfunc_end0:
.L_simem_size_0:
called_computation_lowered:
.L_overlay_start_0:
0x88: {  	s2 =	sld [smem:$0x3FD9]  }
0x89: {  	s3 =	sld [smem:$0x3FFE];
	_ =	sdelay $0x1  }
0x8a: {  	s1 =	srdreg.scid  }
0x8b: {  	s0 =	sand.u32 $0x1, s1  }
0x8c: {  	s14 =	sshll.u32 s0, $0xA;
	s2 =	sadd.s32 s3, s2  }
0x8d: {  	s2 =	sadd.s32 s2, s14  }
0x8e: {  	[smem:$0x3FAD] =	sst s2  }
0x8f: {  	_ = 	snop  }
0x90: {  	s2 =	sld [smem:$0x3FD0];
	_ =	sdelay $0x2  }
0x91: {  	s15 =	simm.s32 $0xA;
	s4 =	simm.s32 $0x10  }
0x92: {  	[smem:s4], [sflag:s15] =	dma.local [hbm:s2], $0x1  }
0x93: {  	_ =	swait.eq [sflag:s15], $0x1  }
0x94: {  	[sflag:s15] =	ssyncset.done $0x0  }
0x95: {  	s16 =	sld [smem:$0x10];
	[sflag:s15] =	ssyncadd.s32 $0xFFFFFFFF  }
0x96: {  	s17 =	sld [smem:$0x11];
	(tm) =	ssettm $0x1  }
0x97: {  	s18 =	sld [smem:$0x3FFB];
	_ =	sdelay $0x3  }
0x98: {  	_ =	strace s18  }
0x99: {  	s4 =	sld [smem:$0x3FFC];
	_ =	sdelay $0x3  }
0x9a: {  	_ =	strace s4  }
0x9b: {  	s4 =	sld [smem:$0x3FFD];
	_ =	sdelay $0x3  }
0x9c: {  	_ =	strace s4  }
0x9d: {  	_ =	strace $0x8FFFFFFF  }
0x9e: {  	s19 =	sld [smem:$0x3FDB];
	_ =	sdelay $0x1  }
0x9f: {  	s5 =	simm.s32 $_scs_section_size  }
0xa0: {  	s6 =	simm.s32 $_size__tile_overlayer_lowered;
	s7 =	simm.s32 $_tile_overlayer_lowered  }
0xa1: {  	s22 =	simm.s32 $0x1BFF;
	s21 =	sshll.u32 s7, $0x1;
	s4 =	sadd.s32 s5, s19  }
0xa2: {  	s8 =	simm.s32 $0x0;
	s20 =	sshll.u32 s6, $0x1;
	s6 =	sadd.s32 s21, s4  }
0xa3: {  	[timem:s8], [sflag:s22] =	dma.local [hbm:s6], s20  }
0xa4: {  	_ =	swait.ge [sflag:s22], s20  }
0xa5: {  	s5 =	ssub.s32 $0x0, s20;
	[sflag:s22] =	ssyncset.done $0x0  }
0xa6: {  	[sflag:s22] =	ssyncadd.s32 s5;
	_ =	sdelay $0x1  }
0xa7: {  	s23 =	simm.s32 $0x1B8B  }
0xa8: {  	_ =	swait.ge [sflag:s23], $0x1  }
0xa9: {  	[sflag:s23] =	ssyncset.done $0x0  }
0xaa: {  	s25 =	simm.s32 $0x1B8E;
	s24 =	sld [smem:$0x3FFE];
	[sflag:s23] =	ssyncadd.s32 $0xFFFFFFFF  }
0xab: {  	s26 =	simm.s32 $execute0_lowered;
	[smem:$0x3FD2] =	sst s25  }
0xac: {  	s6 =	sshll.u32 s26, $0x1;
	_ =	strace $0x80000046;
	[dreg:$0x1] =	wrdreg $0xFFFFFFFF  }
0xad: {  	s28 =	simm.s32 $_size_execute0_lowered;
	s4 =	sadd.s32 s4, s6;
	[dreg:$0x0] =	wrdreg $0x0  }
0xae: {  	s6 =	sshll.u32 s28, $0x1;
	[dreg:$0x2] =	wrdreg s4  }
0xaf: {  	[dreg:$0x3] =	wrdreg s6  }
0xb0: {  	[dreg:$0x4] =	wrdreg $0xC0  }
0xb1: {  	_ =	task [dreg:s8], $0x5FFFF  }
0xb2: {  	[dreg:$0x1] =	wrdreg $0xFFFFFFFF  }
0xb3: {  	[dreg:$0x0] =	wrdreg $0x60  }
0xb4: {  	[dreg:$0x2] =	wrdreg s16  }
0xb5: {  	[dreg:$0x3] =	wrdreg s17  }
0xb6: {  	[dreg:$0x4] =	wrdreg s24  }
0xb7: {  	[dreg:$0x5] =	wrdreg $0x9  }
0xb8: {  	_ =	task.clear_ibuf [dreg:s8], $0x6FFFF;
	_ =	strace $0x90000046  }
0xb9: {  	s29 =	simm.s32 $0x9;
	_ =	strace $0x80000048  }
0xba: {  	_ =	swait.ge [sflag:s29], $0x1  }
0xbb: {  	[sflag:s29] =	ssyncadd.s32 $0xFFFFFFFF  }
0xbc: {  	_ =	strace $0x90000048  }
0xbd: {  	_ =	sfence  }
0xbe: {  	s30 =	sld [smem:$0x0];
	_ =	sdelay $0x2  }
0xbf: {  	s31 =	sshll.u32 s1, $0xD;
	s1 =	sshrl.u32 s1, $0x2  }
0xc0: {  	s3 =	sand.u32 $0x4000, s31;
	s1 =	sadd.s32 s1, s30  }
0xc1: {  	s0 =	sor.u32 s3, s0;
	s1 =	sshll.u32 s1, $0x11  }
0xc2: {  	s0 =	sor.u32 s1, s0  }
0xc3: {  	s0 =	sadd.s32 $0x8F2B, s0  }
0xc4: {  	[sflag:s0] =	ssyncadd.remote.s32 $0x1  }
0xc5: {  	_ =	sfence.sel $0xFFFF  }
0xc6: {  	[dreg:$0x0] =	wrdreg $0xFFFFFFFF;
	(pc) =	sbr.abs _section_cstart, $3  }
0xc7: {  	[dreg:$0x1] =	wrdreg $0xFFFFFFFF  }
0xc8: {  	_ =	task.clear_ibuf [dreg:s8], $0x2FFFF;
	_ =	strace $0x9FFFFFFF  }
0xc9: {  	(tm) =	ssettm $0x7FFFFFFF  }
tec
execute0_lowered:
.L_overlay_start_1:
0x0: {  	(tag) =	ssettag $0x1  }
0x1: {  	s1 =	rddreg [dreg:$0x0]  }
0x2: {  	s2 =	rddreg [dreg:$0x1]  }
0x3: {  	s9 =	rddreg [dreg:$0x2]  }
0x4: {  	s0 =	rddreg [dreg:$0x3];
	s3 =	simm.s32 $0x0;
	s7 =	srdreg.scid  }
0x5: {  	s4 =	stileid.u32;
	s14 =	simm.s32 $0x50;
	s15 =	simm.s32 $0x100  }
0x6: {  	s16 =	simm.s32 $0x2900;
	s17 =	simm.s32 $0x5100;
	s18 =	simm.s32 $0x1  }
0x7: {  	s19 =	simm.s32 $0x2;
	s20 =	simm.s32 $0x7900;
	s21 =	simm.s32 $0x3  }
0x8: {  	s22 =	simm.s32 $0x0;
	[smem:$0x7FF] =	sst s3;
	s5 =	sadd.s32 $0x18200, s9  }
0x9: {  	s6 =	sadd.s32 $0x4600, s9;
	s10 =	sand.u32 $0x1, s7;
	s7 =	sadd.s32 $0xE400, s9  }
0xa: {  	s12 =	sshll.u32 s4, $0x1;
	s8 =	sadd.s32 $0x3F400, s9;
	s11 =	ssub.s32 $0x2, s10  }
0xb: {  	s9 =	sadd.s32 $0x521400, s9;
	_ =	strace $0x80000047;
	s13 =	sshrl.u32 s11, $0x1  }
0xc: {  	s10 =	sor.u32 s10, s12;
	s12 =	simm.s32 $0x4;
	s11 =	ssub.s32 s11, s13  }
0xd: {  	s10 =	smul.u32 $0x2710, s10;
	s13 =	simm.s32 $0x80;
	s11 =	smax.u32 s11, $0x1  }
.LBB2_1:
0xe: {  	s23 =	simm.s32 $0x0  }
.LBB2_2:
0xf: {  	s24 =	smul.u32 $0x50, s23;
	_ =	sdelay $0x1  }
0x10: {  	s24 =	sadd.s32 s10, s24  }
0x11: {  	s25 =	sshrl.u32 s24, $0x3  }
0x12: {  	s28 =	simm.s32 $0x0;
	s26 =	sadd.s32 s6, s25  }
0x13: {  	[tilespmem:s28], [sflag:$0x4] =	stream.linear.gather [hbm4b:s26+s28], $0x50, $0x38;
	[tilespmem:$0xA100] =	vst v63  }
0x14: {  	_ =	swait.ge [sflag:s12], $0x50  }
0x15: {  	[sflag:s12] =	ssyncset.done $0x0  }
0x16: {  	s25 =	sadd.s32 s7, s25;
	[sflag:s12] =	ssyncadd.s32 $0xFFFFFFB0  }
0x17: {  	[tilespmem:s13], [sflag:$0x4] =	stream.linear.gather [hbm4b:s25+s28], $0x50, $0x38;
	[tilespmem:$0xA100] =	vst v63  }
0x18: {  	_ =	swait.ge [sflag:s12], $0x50  }
0x19: {  	[sflag:s12] =	ssyncset.done $0x0  }
0x1a: {  	[sflag:s12] =	ssyncadd.s32 $0xFFFFFFB0  }
0x1b: {  	[tilespmem:s15], [sflag:$0x1] =	stream.indirect.gather [hbm4b:s1+s14], $0x80, s28, s14, $0xb8;
	[tilespmem:$0xA100] =	vst v63  }
0x1c: {  	_ = 	snop  }
0x1d: {  	[tilespmem:s16], [sflag:$0x2] =	stream.indirect.gather [hbm4b:s2+s14], $0x80, s13, s14, $0xb8;
	[tilespmem:$0xA100] =	vst v63  }
0x1e: {  	_ = 	snop  }
0x1f: {  	[tilespmem:s17], [sflag:$0x3] =	stream.indirect.gather [hbm4b:s5+s14], $0x80, s28, s14, $0xb8;
	[tilespmem:$0xA100] =	vst v63  }
0x20: {  	_ =	swait.ge [sflag:s18], $0x2800  }
0x21: {  	[sflag:s18] =	ssyncset.done $0x0  }
0x22: {  	[sflag:s18] =	ssyncadd.s32 $0xFFFFD800  }
0x23: {  	_ =	swait.ge [sflag:s19], $0x2800  }
0x24: {  	[sflag:s19] =	ssyncset.done $0x0  }
0x25: {  	s25 =	simm.s32 $0x0;
	[sflag:s19] =	ssyncadd.s32 $0xFFFFD800  }
0x26: {  	v0 =	vld [tilespmem:s25+$0x170]  }
0x27: {  	v1 =	vld [tilespmem:s25+$0x2970]  }
0x28: {  	v2 =	vld [tilespmem:s25+$0x100]  }
0x29: {  	v3 =	vld [tilespmem:s25+$0x2900]  }
0x2a: {  	v4 =	vld [tilespmem:s25+$0x110]  }
0x2b: {  	v5 =	vld [tilespmem:s25+$0x2910]  }
0x2c: {  	v6 =	vld [tilespmem:s25+$0x120]  }
0x2d: {  	v7 =	vld [tilespmem:s25+$0x130]  }
0x2e: {  	v0 =	vmul.f32 v1, v0;
	v1 =	vld [tilespmem:s25+$0x2920]  }
0x2f: {  	v8 =	vld [tilespmem:s25+$0x2930]  }
0x30: {  	v9 =	vld [tilespmem:s25+$0x2940];
	v2 =	vmul.f32 v3, v2  }
0x31: {  	[tilespmem:s25+$0x7970] =	vst v0;
	v0 =	vmul.f32 v5, v4;
	v5 =	vld [tilespmem:s25+$0x140]  }
0x32: {  	v3 =	vld [tilespmem:s25+$0x2950];
	[tilespmem:s25+$0x7900] =	vst v2  }
0x33: {  	v2 =	vld [tilespmem:s25+$0x150];
	[tilespmem:s25+$0x7910] =	vst v0;
	v0 =	vmul.f32 v1, v6  }
0x34: {  	v4 =	vld [tilespmem:s25+$0x2960];
	v6 =	vmul.f32 v8, v7  }
0x35: {  	s26 =	simm.s32 $0x80;
	[tilespmem:s25+$0x7920] =	vst v0;
	v0 =	vld [tilespmem:s25+$0x160]  }
0x36: {  	s28 =	simm.s32 $0x400;
	v5 =	vmul.f32 v9, v5;
	v1 =	vld [tilespmem:s26+$0x170];
	[tilespmem:s25+$0x7930] =	vst v6  }
.LBB2_3:
0x37: {  	p0 =	sne.s32 s28, $0x9E00;
	v6 =	vld [tilespmem:s26+$0x2970]  }
0x38: {  	v7 =	vld [tilespmem:s26+$0x100];
	[tilespmem:s25+$0x7940] =	vst v5;
	v2 =	vmul.f32 v3, v2  }
0x39: {  	v3 =	vld [tilespmem:s26+$0x2900]  }
0x3a: {  	v5 =	vld [tilespmem:s26+$0x110];
	[tilespmem:s25+$0x7950] =	vst v2;
	v0 =	vmul.f32 v4, v0  }
0x3b: {  	v2 =	vld [tilespmem:s26+$0x2910]  }
0x3c: {  	v4 =	vld [tilespmem:s26+$0x120];
	v1 =	vmul.f32 v6, v1;
	[tilespmem:s25+$0x7960] =	vst v0;
	s25 =	smov.u32 s26  }
0x3d: {  	v0 =	vld [tilespmem:s25+$0x2920]  }
0x3e: {  	v3 =	vmul.f32 v3, v7;
	v6 =	vld [tilespmem:s25+$0x130];
	[tilespmem:s25+$0x7970] =	vst v1  }
0x3f: {  	v1 =	vld [tilespmem:s25+$0x2930]  }
0x40: {  	[tilespmem:s25+$0x7900] =	vst v3;
	v2 =	vmul.f32 v2, v5;
	v5 =	vld [tilespmem:s25+$0x140]  }
0x41: {  	v7 =	vld [tilespmem:s25+$0x2940]  }
.Ltmp0:
0x42: {  	[tilespmem:s25+$0x7910] =	vst v2;
	v0 =	vmul.f32 v0, v4;
	v2 =	vld [tilespmem:s25+$0x150];
	(pc) =	sbr.rel @p0 .LBB2_3-.Ltmp0, $4  }
0x43: {  	v3 =	vld [tilespmem:s25+$0x2950]  }
0x44: {  	[tilespmem:s25+$0x7920] =	vst v0;
	v6 =	vmul.f32 v1, v6;
	v0 =	vld [tilespmem:s25+$0x160]  }
0x45: {  	s26 =	sshra.s32 s28, $0x2;
	v4 =	vld [tilespmem:s25+$0x2960]  }
0x46: {  	s28 =	sadd.s32 $0x200, s28;
	v1 =	vld [tilespmem:s26+$0x170];
	[tilespmem:s25+$0x7930] =	vst v6;
	v5 =	vmul.f32 v7, v5  }
0x47: {  	v6 =	vld [tilespmem:s26+$0x2970]  }
0x48: {  	v7 =	vld [tilespmem:s26+$0x100];
	[tilespmem:s25+$0x7940] =	vst v5;
	v2 =	vmul.f32 v3, v2  }
0x49: {  	v51 =	vld [tilespmem:s26+$0x2900]  }
0x4a: {  	v5 =	vld [tilespmem:s26+$0x110];
	[tilespmem:s25+$0x7950] =	vst v2;
	v0 =	vmul.f32 v4, v0  }
0x4b: {  	v2 =	vld [tilespmem:s26+$0x2910]  }
0x4c: {  	v52 =	vld [tilespmem:s26+$0x120];
	[tilespmem:s25+$0x7960] =	vst v0  }
0x4d: {  	v54 =	vld [tilespmem:s26+$0x2920]  }
0x4e: {  	v55 =	vld [tilespmem:s26+$0x130]  }
0x4f: {  	v56 =	vld [tilespmem:s26+$0x2930]  }
0x50: {  	v57 =	vld [tilespmem:s26+$0x140]  }
0x51: {  	v58 =	vld [tilespmem:s26+$0x2940]  }
0x52: {  	v59 =	vld [tilespmem:s26+$0x150]  }
0x53: {  	v53 =	vmul.f32 v6, v1;
	v60 =	vld [tilespmem:s26+$0x2950]  }
0x54: {  	v61 =	vld [tilespmem:s26+$0x160];
	v3 =	vmul.f32 v51, v7  }
0x55: {  	v62 =	vld [tilespmem:s26+$0x2960];
	[tilespmem:s26+$0x7970] =	vst v53;
	v2 =	vmul.f32 v2, v5  }
0x56: {  	[tilespmem:s26+$0x7900] =	vst v3;
	v1 =	vmul.f32 v54, v52  }
0x57: {  	[tilespmem:s26+$0x7910] =	vst v2;
	v0 =	vmul.f32 v56, v55  }
0x58: {  	v3 =	vmul.f32 v58, v57;
	[tilespmem:s26+$0x7920] =	vst v1  }
0x59: {  	v63 =	vmul.f32 v60, v59;
	[tilespmem:s26+$0x7930] =	vst v0  }
0x5a: {  	[tilespmem:s26+$0x7940] =	vst v3;
	v1 =	vmul.f32 v62, v61  }
0x5b: {  	s24 =	sshll.u32 s24, $0x4;
	[tilespmem:s26+$0x7950] =	vst v63  }
0x5c: {  	s31 =	sadd.s32 s8, s24;
	[tilespmem:s26+$0x7960] =	vst v1  }
0x5d: {  	[hbm4b:s31+s3] =	stream.linear.scatter [tilespmem:s20], [sflag:$0x4], $0x2800, $0x38;
	[tilespmem:$0xA100] =	vst v63  }
0x5e: {  	_ =	swait.ge [sflag:s12], $0x2800  }
0x5f: {  	[sflag:s12] =	ssyncset.done $0x0  }
0x60: {  	[sflag:s12] =	ssyncadd.s32 $0xFFFFD800  }
0x61: {  	s23 =	sadd.s32 $0x1, s23;
	_ =	swait.ge [sflag:s21], $0x2800  }
0x62: {  	p0 =	sne.s32 s23, $0x7D;
	[sflag:s21] =	ssyncset.done $0x0  }
.Ltmp1:
0x63: {  	s24 =	sadd.s32 s9, s24;
	[sflag:s21] =	ssyncadd.s32 $0xFFFFD800;
	(pc) =	sbr.rel @p0 .LBB2_2-.Ltmp1, $4  }
0x64: {  	[hbm4b:s24+s3] =	stream.linear.scatter [tilespmem:s17], [sflag:$0x4], $0x2800, $0x38;
	[tilespmem:$0xA100] =	vst v63  }
0x65: {  	_ =	swait.ge [sflag:s12], $0x2800  }
0x66: {  	[sflag:s12] =	ssyncset.done $0x0  }
0x67: {  	[sflag:s12] =	ssyncadd.s32 $0xFFFFD800  }
0x68: {  	s22 =	sadd.s32 $0x1, s22  }
0x69: {  	p0 =	sne.s32 s22, s11  }
.Ltmp2:
0x6a: {  	_ = 	snop;
	(pc) =	sbr.rel @p0 .LBB2_1-.Ltmp2, $1  }
0x6b: {  	_ =	sdelay $0x3  }
0x6c: {  	_ =	sfence.sel $0x180000  }
0x6d: {  	[bflag:$0x0] =	sbarrier.arrive $0xFFFF  }
0x6e: {  	p0 =	sne.s32 s4, $0x0;
	_ =	strace $0x90000047  }
0x6f: {  	s0 =	sadd.s32 @!p0 $0x100000, s0;
	[bflag:$0x2] =	sbarrier.arrive $0xFFFF  }
0x70: {  	[sflag:s0] =	ssyncadd.tile.s32 @!p0 $0x1;
	_ =	shalt  }
.Lfunc_end2:
_tile_overlayer_lowered:
.L_overlay_start_2:
0x71: {  	(tag) =	ssettag $0x2  }
0x72: {  	s0 =	rddreg [dreg:$0x0];
	s2 =	stileid.u32  }
0x73: {  	s1 =	rddreg [dreg:$0x1];
	p0 =	sne.s32 s2, $0x0  }
0x74: {  	s3 =	rddreg [dreg:$0x2];
	[bflag:$0x3] =	sbarrier.arrive $0xFFFF;
	s2 =	simm.s32 @!p0 $0x1C04  }
0x75: {  	[timem:s3], [sflag:s2] =	dma.local @!p0 [hbm:s0], s1  }
0x76: {  	s0 =	simm.s32 @!p0 $0x4  }
0x77: {  	_ =	swait.ge @!p0 [sflag:s0], s1  }
0x78: {  	s1 =	ssub.s32 @!p0 $0x0, s1;
	[sflag:s0] =	ssyncset.done @!p0 $0x0  }
0x79: {  	[sflag:s0] =	ssyncadd.s32 @!p0 s1  }
0x7a: {  	[bflag:$0x3] =	sbarrier.arrive $0xFFFF  }
0x7b: {  	_ =	shalt  }

</sc_bundles>
